<compile_context>
chip_gen: v7x
topology: tpu7x:2x2x1
jax: 0.10.2.dev20260603
libtpu: 0.0.44.dev20260713+nightly
codegen_flags: <defaults>
</compile_context>

<pallas_src>
import functools

import jax
import jax.numpy as jnp
from jax import lax
from jax.experimental import pallas as pl
from jax.experimental.pallas import tpu as pltpu
from jax.experimental.pallas import tpu_sc as plsc

E = 320000
D = 128
R = 1000
L = 16
NC = 2
NS = 16
NW = NC * NS
PW = E // NW
C = 80
NCH = PW // C
G = C // L


def _sc_body(uh_hbm, vh_hbm, et_hbm, w_hbm, out_hbm,
             uh_v, vh_v, w_v, idx_v, sc_v, col_v, sem0, sem1):
    wid = lax.axis_index("s") * NC + lax.axis_index("c")
    base0 = wid * PW
    lane_iota = lax.iota(jnp.int32, L)
    sems = (sem0, sem1)

    pltpu.sync_copy(et_hbm.at[pl.ds(base0, PW)], idx_v)

    def issue(lc, b):
        base = base0 + lc * C
        sem = sems[b]
        pltpu.async_copy(w_hbm.at[idx_v.at[pl.ds(lc * C, C)]], w_v.at[b], sem)
        pltpu.async_copy(uh_hbm.at[pl.ds(base, C), :], uh_v.at[b], sem)
        pltpu.async_copy(vh_hbm.at[pl.ds(base, C), :], vh_v.at[b], sem)

    def drain(lc, b):
        base = base0 + lc * C
        sem = sems[b]
        pltpu.make_async_copy(w_hbm.at[idx_v.at[pl.ds(lc * C, C)]],
                              w_v.at[b], sem).wait()
        pltpu.make_async_copy(uh_hbm.at[pl.ds(base, C), :],
                              uh_v.at[b], sem).wait()
        pltpu.make_async_copy(vh_hbm.at[pl.ds(base, C), :],
                              vh_v.at[b], sem).wait()

    def compute(lc, b):
        scatter_base = lane_iota * L

        def group_body(g, carry):
            row0 = g * L

            @plsc.parallel_loop(0, L, unroll=4)
            def edge_body(e):
                row = row0 + e
                acc = (uh_v[b, row, pl.ds(0, L)]
                       * vh_v[b, row, pl.ds(0, L)]
                       * w_v[b, row, pl.ds(0, L)])
                for k in range(1, D // L):
                    acc = acc + (uh_v[b, row, pl.ds(k * L, L)]
                                 * vh_v[b, row, pl.ds(k * L, L)]
                                 * w_v[b, row, pl.ds(k * L, L)])
                plsc.store_scatter(col_v, [scatter_base + e], acc)
            s = col_v[pl.ds(0, L)]
            for j in range(1, L):
                s = s + col_v[pl.ds(j * L, L)]
            sc_v[pl.ds(lc * C + row0, L)] = s
            return carry

        lax.fori_loop(0, G, group_body, 0)

    issue(0, 0)

    def pair_body(k, carry):
        c0 = 2 * k
        issue(c0 + 1, 1)
        drain(c0, 0)
        compute(c0, 0)
        issue(c0 + 2, 0)
        drain(c0 + 1, 1)
        compute(c0 + 1, 1)
        return carry

    lax.fori_loop(0, (NCH - 1) // 2, pair_body, 0)

    drain(NCH - 1, 0)
    compute(NCH - 1, 0)

    pltpu.sync_copy(sc_v, out_hbm.at[pl.ds(base0, PW)])


def kernel(uh, vh, etypes, W):
    mesh = plsc.VectorSubcoreMesh(core_axis_name="c", subcore_axis_name="s")
    f = functools.partial(
        pl.kernel,
        mesh=mesh,
        compiler_params=pltpu.CompilerParams(needs_layout_passes=False),
        out_type=jax.ShapeDtypeStruct((E,), jnp.float32),
        scratch_types=[
            pltpu.VMEM((2, C, D), jnp.float32),
            pltpu.VMEM((2, C, D), jnp.float32),
            pltpu.VMEM((2, C, D), jnp.float32),
            pltpu.VMEM((PW,), jnp.int32),
            pltpu.VMEM((PW,), jnp.float32),
            pltpu.VMEM((L * L,), jnp.float32),
            pltpu.SemaphoreType.DMA,
            pltpu.SemaphoreType.DMA,
        ],
    )(_sc_body)
    return f(uh, vh, etypes, W)

# --- scband reference (transcript-rebuilt; emitter-appended) ---
"""Pipeline reference for scband-dist-mult-decoder-27908697489768 (READ-ONLY COPY).

The authoritative reference and input builder live on the scoring server;
editing this copy changes nothing except your own understanding.
"""

import jax, jax.numpy as jnp
import numpy as np

E = 320000
D = 128
R = 1000
GAMMA = 40.0


def setup_inputs(seed: int = 0) -> dict:
    key = jax.random.key(seed)
    k1, k2, k3, k4 = jax.random.split(key, 4)
    uh = jax.random.normal(k1, (E, D), dtype=jnp.float32)
    vh = jax.random.normal(k2, (E, D), dtype=jnp.float32)
    etypes = jax.random.randint(k3, (E,), 0, R, dtype=jnp.int32)
    emb_init = GAMMA / D
    W = jax.random.uniform(k4, (R, D), minval=-emb_init, maxval=emb_init, dtype=jnp.float32)
    return {"uh": uh, "vh": vh, "etypes": etypes, "W": W}


def reference(uh, vh, etypes, W):
    # DistMultDecoder.decoder_mat: h = uh * vh, then per-edge multiply by the
    # relation embedding gathered by etype, then sum over hidden dim.
    # The original per-relation-id loop with boolean masks is mathematically
    # identical to a single gather of W rows by etypes (check_mask asserts
    # every edge is covered exactly once).
    h = uh * vh
    rel_emb = jnp.take(W, etypes, axis=0)  # [E, D] gather (SparseCore-friendly)
    h = h * rel_emb
    score = h.sum(-1)  # [E]
    return score

if __name__ == "__main__":
    import jax
    _d = setup_inputs()
    print(jax.jit(kernel)(*tuple(_d.values())))

</pallas_src>

<mosaic_0001>
#map = affine_map<(d0, d1) -> (0, 0)>
#map1 = affine_map<(d0, d1) -> (0)>
module attributes {stable_mosaic.version = 14 : i64} {
  func.func @_sc_body(%arg0: i32, %arg1: i32, %arg2: memref<320000x128xf32, #tpu.memory_space<hbm>>, %arg3: memref<320000x128xf32, #tpu.memory_space<hbm>>, %arg4: memref<320000xi32, #tpu.memory_space<hbm>>, %arg5: memref<1000x128xf32, #tpu.memory_space<hbm>>, %arg6: memref<320000xf32, #tpu.memory_space<hbm>>, %arg7: memref<2x80x128xf32, #tpu.memory_space<vmem>>, %arg8: memref<2x80x128xf32, #tpu.memory_space<vmem>>, %arg9: memref<2x80x128xf32, #tpu.memory_space<vmem>>, %arg10: memref<10000xi32, #tpu.memory_space<vmem>>, %arg11: memref<10000xf32, #tpu.memory_space<vmem>>, %arg12: memref<256xf32, #tpu.memory_space<vmem>>, %arg13: memref<!tpu.dma_semaphore, #tpu.memory_space<semaphore_mem>>, %arg14: memref<!tpu.dma_semaphore, #tpu.memory_space<semaphore_mem>>) attributes {dimension_semantics = [#tpu.dimension_semantics<core_parallel>, #tpu.dimension_semantics<subcore_parallel>], iteration_bounds = array<i64: 2, 16>, scalar_prefetch = 0 : i64, scratch_operands = 8 : i64, tpu.core_type = #tpu.core_type<sc_vector_subcore>, window_params = [{transform_indices = #map}, {transform_indices = #map}, {transform_indices = #map1}, {transform_indices = #map}, {transform_indices = #map1}]} {
    %mul3A = arith.constant 2 : i32
    %mul3A_0 = arith.muli %arg1, %mul3A : i32
    %add3A = arith.addi %mul3A_0, %arg0 : i32
    %mul3A_1 = arith.constant 10000 : i32
    %mul3A_2 = arith.muli %add3A, %mul3A_1 : i32
    %iota3A = tpu.iota {dimensions = array<i32: 0>} : vector<16xi32>
    "tpu.region"() ({
      %run_scoped3A = tpu.sem_alloc : memref<!tpu.dma_semaphore, #tpu.memory_space<semaphore_mem>>
      %dma_start3A_91 = tpu.memref_slice %arg4[%mul3A_2] : memref<320000xi32, #tpu.memory_space<hbm>> -> memref<10000xi32, #tpu.memory_space<hbm>>
      %dma_start3A_92 = tpu.memref_slice %arg4[%mul3A_2] : memref<320000xi32, #tpu.memory_space<hbm>> -> memref<10000xi32, #tpu.memory_space<hbm>>
      tpu.enqueue_dma source(%dma_start3A_92 : memref<10000xi32, #tpu.memory_space<hbm>>) target(%arg10 : memref<10000xi32, #tpu.memory_space<vmem>>) target_semaphore(%run_scoped3A : memref<!tpu.dma_semaphore, #tpu.memory_space<semaphore_mem>>)
      %dma_wait3A_93 = tpu.memref_slice %arg4[%mul3A_2] : memref<320000xi32, #tpu.memory_space<hbm>> -> memref<10000xi32, #tpu.memory_space<hbm>>
      %dma_wait3A_94 = tpu.memref_slice %arg4[%mul3A_2] : memref<320000xi32, #tpu.memory_space<hbm>> -> memref<10000xi32, #tpu.memory_space<hbm>>
      tpu.wait_dma2 semaphore(%run_scoped3A : memref<!tpu.dma_semaphore, #tpu.memory_space<semaphore_mem>>) src(%dma_wait3A_94 : memref<10000xi32, #tpu.memory_space<hbm>>) dst(%arg10 : memref<10000xi32, #tpu.memory_space<vmem>>)
      tpu.yield
    }) : () -> ()
    %add3A_3 = arith.constant 0 : i32
    %add3A_4 = arith.addi %mul3A_2, %add3A_3 : i32
    %dma_start3A = arith.constant 0 : i32
    %dma_start3A_5 = arith.constant 0 : i32
    %dma_start3A_6 = arith.constant 0 : i32
    %dma_start3A_7 = tpu.memref_slice %arg9[%dma_start3A, %dma_start3A_5, %dma_start3A_6] : memref<2x80x128xf32, #tpu.memory_space<vmem>> -> memref<1x80x128xf32, #tpu.memory_space<vmem>>
    %dma_start3A_8 = tpu.memref_squeeze %dma_start3A_7 : memref<1x80x128xf32, #tpu.memory_space<vmem>> -> memref<80x128xf32, #tpu.memory_space<vmem>>
    %dma_start3A_9 = arith.constant 0 : i32
    %dma_start3A_10 = tpu.memref_slice %arg10[%dma_start3A_9] : memref<10000xi32, #tpu.memory_space<vmem>> -> memref<80xi32, #tpu.memory_space<vmem>>
    %dma_start3A_11 = arith.constant 0 : i32
    %dma_start3A_12 = arith.constant 0 : i32
    %dma_start3A_13 = tpu.memref_slice %arg5[%dma_start3A_11, %dma_start3A_12] : memref<1000x128xf32, #tpu.memory_space<hbm>> -> memref<1000x128xf32, #tpu.memory_space<hbm>>
    tpu.enqueue_indirect_dma source(%dma_start3A_13 : memref<1000x128xf32, #tpu.memory_space<hbm>>) target(%dma_start3A_8 : memref<80x128xf32, #tpu.memory_space<vmem>>) offsets(%dma_start3A_10 : memref<80xi32, #tpu.memory_space<vmem>>) semaphore(%arg13 : memref<!tpu.dma_semaphore, #tpu.memory_space<semaphore_mem>>)
    %dma_start3A_14 = arith.constant 0 : i32
    %dma_start3A_15 = arith.constant 0 : i32
    %dma_start3A_16 = arith.constant 0 : i32
    %dma_start3A_17 = tpu.memref_slice %arg7[%dma_start3A_14, %dma_start3A_15, %dma_start3A_16] : memref<2x80x128xf32, #tpu.memory_space<vmem>> -> memref<1x80x128xf32, #tpu.memory_space<vmem>>
    %dma_start3A_18 = tpu.memref_squeeze %dma_start3A_17 : memref<1x80x128xf32, #tpu.memory_space<vmem>> -> memref<80x128xf32, #tpu.memory_space<vmem>>
    %dma_start3A_19 = arith.constant 0 : i32
    %dma_start3A_20 = tpu.memref_slice %arg2[%add3A_4, %dma_start3A_19] : memref<320000x128xf32, #tpu.memory_space<hbm>> -> memref<80x128xf32, #tpu.memory_space<hbm>>
    %dma_start3A_21 = arith.constant 0 : i32
    %dma_start3A_22 = arith.constant 0 : i32
    %dma_start3A_23 = tpu.memref_slice %arg7[%dma_start3A_14, %dma_start3A_21, %dma_start3A_22] : memref<2x80x128xf32, #tpu.memory_space<vmem>> -> memref<1x80x128xf32, #tpu.memory_space<vmem>>
    %dma_start3A_24 = tpu.memref_squeeze %dma_start3A_23 : memref<1x80x128xf32, #tpu.memory_space<vmem>> -> memref<80x128xf32, #tpu.memory_space<vmem>>
    %dma_start3A_25 = arith.constant 0 : i32
    %dma_start3A_26 = tpu.memref_slice %arg2[%add3A_4, %dma_start3A_25] : memref<320000x128xf32, #tpu.memory_space<hbm>> -> memref<80x128xf32, #tpu.memory_space<hbm>>
    tpu.enqueue_dma source(%dma_start3A_26 : memref<80x128xf32, #tpu.memory_space<hbm>>) target(%dma_start3A_24 : memref<80x128xf32, #tpu.memory_space<vmem>>) target_semaphore(%arg13 : memref<!tpu.dma_semaphore, #tpu.memory_space<semaphore_mem>>)
    %dma_start3A_27 = arith.constant 0 : i32
    %dma_start3A_28 = arith.constant 0 : i32
    %dma_start3A_29 = arith.constant 0 : i32
    %dma_start3A_30 = tpu.memref_slice %arg8[%dma_start3A_27, %dma_start3A_28, %dma_start3A_29] : memref<2x80x128xf32, #tpu.memory_space<vmem>> -> memref<1x80x128xf32, #tpu.memory_space<vmem>>
    %dma_start3A_31 = tpu.memref_squeeze %dma_start3A_30 : memref<1x80x128xf32, #tpu.memory_space<vmem>> -> memref<80x128xf32, #tpu.memory_space<vmem>>
    %dma_start3A_32 = arith.constant 0 : i32
    %dma_start3A_33 = tpu.memref_slice %arg3[%add3A_4, %dma_start3A_32] : memref<320000x128xf32, #tpu.memory_space<hbm>> -> memref<80x128xf32, #tpu.memory_space<hbm>>
    %dma_start3A_34 = arith.constant 0 : i32
    %dma_start3A_35 = arith.constant 0 : i32
    %dma_start3A_36 = tpu.memref_slice %arg8[%dma_start3A_27, %dma_start3A_34, %dma_start3A_35] : memref<2x80x128xf32, #tpu.memory_space<vmem>> -> memref<1x80x128xf32, #tpu.memory_space<vmem>>
    %dma_start3A_37 = tpu.memref_squeeze %dma_start3A_36 : memref<1x80x128xf32, #tpu.memory_space<vmem>> -> memref<80x128xf32, #tpu.memory_space<vmem>>
    %dma_start3A_38 = arith.constant 0 : i32
    %dma_start3A_39 = tpu.memref_slice %arg3[%add3A_4, %dma_start3A_38] : memref<320000x128xf32, #tpu.memory_space<hbm>> -> memref<80x128xf32, #tpu.memory_space<hbm>>
    tpu.enqueue_dma source(%dma_start3A_39 : memref<80x128xf32, #tpu.memory_space<hbm>>) target(%dma_start3A_37 : memref<80x128xf32, #tpu.memory_space<vmem>>) target_semaphore(%arg13 : memref<!tpu.dma_semaphore, #tpu.memory_space<semaphore_mem>>)
    %scan3A = arith.constant 0 : i32
    %scan3A_40 = arith.constant 0 : i32
    %scan3A_41 = arith.constant 62 : i32
    %scan3A_42 = arith.addi %scan3A_40, %scan3A_41 : i32
    %scan3A_43 = arith.constant 1 : i32
    scf.for %scan3A_91 = %scan3A_40 to %scan3A_42 step %scan3A_43  : i32 {
      %mul3A_92 = arith.constant 2 : i32
      %mul3A_93 = arith.muli %mul3A_92, %scan3A_91 : i32
      %add3A_94 = arith.constant 1 : i32
      %add3A_95 = arith.addi %mul3A_93, %add3A_94 : i32
      %mul3A_96 = arith.constant 80 : i32
      %mul3A_97 = arith.muli %add3A_95, %mul3A_96 : i32
      %add3A_98 = arith.addi %mul3A_2, %mul3A_97 : i32
      %mul3A_99 = arith.constant 80 : i32
      %mul3A_100 = arith.muli %add3A_95, %mul3A_99 : i32
      %dma_start3A_101 = arith.constant 1 : i32
      %dma_start3A_102 = arith.constant 0 : i32
      %dma_start3A_103 = arith.constant 0 : i32
      %dma_start3A_104 = tpu.memref_slice %arg9[%dma_start3A_101, %dma_start3A_102, %dma_start3A_103] : memref<2x80x128xf32, #tpu.memory_space<vmem>> -> memref<1x80x128xf32, #tpu.memory_space<vmem>>
      %dma_start3A_105 = tpu.memref_squeeze %dma_start3A_104 : memref<1x80x128xf32, #tpu.memory_space<vmem>> -> memref<80x128xf32, #tpu.memory_space<vmem>>
      %dma_start3A_106 = tpu.memref_slice %arg10[%mul3A_100] : memref<10000xi32, #tpu.memory_space<vmem>> -> memref<80xi32, #tpu.memory_space<vmem>>
      %dma_start3A_107 = arith.constant 0 : i32
      %dma_start3A_108 = arith.constant 0 : i32
      %dma_start3A_109 = tpu.memref_slice %arg5[%dma_start3A_107, %dma_start3A_108] : memref<1000x128xf32, #tpu.memory_space<hbm>> -> memref<1000x128xf32, #tpu.memory_space<hbm>>
      tpu.enqueue_indirect_dma source(%dma_start3A_109 : memref<1000x128xf32, #tpu.memory_space<hbm>>) target(%dma_start3A_105 : memref<80x128xf32, #tpu.memory_space<vmem>>) offsets(%dma_start3A_106 : memref<80xi32, #tpu.memory_space<vmem>>) semaphore(%arg14 : memref<!tpu.dma_semaphore, #tpu.memory_space<semaphore_mem>>)
      %dma_start3A_110 = arith.constant 1 : i32
      %dma_start3A_111 = arith.constant 0 : i32
      %dma_start3A_112 = arith.constant 0 : i32
      %dma_start3A_113 = tpu.memref_slice %arg7[%dma_start3A_110, %dma_start3A_111, %dma_start3A_112] : memref<2x80x128xf32, #tpu.memory_space<vmem>> -> memref<1x80x128xf32, #tpu.memory_space<vmem>>
      %dma_start3A_114 = tpu.memref_squeeze %dma_start3A_113 : memref<1x80x128xf32, #tpu.memory_space<vmem>> -> memref<80x128xf32, #tpu.memory_space<vmem>>
      %dma_start3A_115 = arith.constant 0 : i32
      %dma_start3A_116 = tpu.memref_slice %arg2[%add3A_98, %dma_start3A_115] : memref<320000x128xf32, #tpu.memory_space<hbm>> -> memref<80x128xf32, #tpu.memory_space<hbm>>
      %dma_start3A_117 = arith.constant 0 : i32
      %dma_start3A_118 = arith.constant 0 : i32
      %dma_start3A_119 = tpu.memref_slice %arg7[%dma_start3A_110, %dma_start3A_117, %dma_start3A_118] : memref<2x80x128xf32, #tpu.memory_space<vmem>> -> memref<1x80x128xf32, #tpu.memory_space<vmem>>
      %dma_start3A_120 = tpu.memref_squeeze %dma_start3A_119 : memref<1x80x128xf32, #tpu.memory_space<vmem>> -> memref<80x128xf32, #tpu.memory_space<vmem>>
      %dma_start3A_121 = arith.constant 0 : i32
      %dma_start3A_122 = tpu.memref_slice %arg2[%add3A_98, %dma_start3A_121] : memref<320000x128xf32, #tpu.memory_space<hbm>> -> memref<80x128xf32, #tpu.memory_space<hbm>>
      tpu.enqueue_dma source(%dma_start3A_122 : memref<80x128xf32, #tpu.memory_space<hbm>>) target(%dma_start3A_120 : memref<80x128xf32, #tpu.memory_space<vmem>>) target_semaphore(%arg14 : memref<!tpu.dma_semaphore, #tpu.memory_space<semaphore_mem>>)
      %dma_start3A_123 = arith.constant 1 : i32
      %dma_start3A_124 = arith.constant 0 : i32
      %dma_start3A_125 = arith.constant 0 : i32
      %dma_start3A_126 = tpu.memref_slice %arg8[%dma_start3A_123, %dma_start3A_124, %dma_start3A_125] : memref<2x80x128xf32, #tpu.memory_space<vmem>> -> memref<1x80x128xf32, #tpu.memory_space<vmem>>
      %dma_start3A_127 = tpu.memref_squeeze %dma_start3A_126 : memref<1x80x128xf32, #tpu.memory_space<vmem>> -> memref<80x128xf32, #tpu.memory_space<vmem>>
      %dma_start3A_128 = arith.constant 0 : i32
      %dma_start3A_129 = tpu.memref_slice %arg3[%add3A_98, %dma_start3A_128] : memref<320000x128xf32, #tpu.memory_space<hbm>> -> memref<80x128xf32, #tpu.memory_space<hbm>>
      %dma_start3A_130 = arith.constant 0 : i32
      %dma_start3A_131 = arith.constant 0 : i32
      %dma_start3A_132 = tpu.memref_slice %arg8[%dma_start3A_123, %dma_start3A_130, %dma_start3A_131] : memref<2x80x128xf32, #tpu.memory_space<vmem>> -> memref<1x80x128xf32, #tpu.memory_space<vmem>>
      %dma_start3A_133 = tpu.memref_squeeze %dma_start3A_132 : memref<1x80x128xf32, #tpu.memory_space<vmem>> -> memref<80x128xf32, #tpu.memory_space<vmem>>
      %dma_start3A_134 = arith.constant 0 : i32
      %dma_start3A_135 = tpu.memref_slice %arg3[%add3A_98, %dma_start3A_134] : memref<320000x128xf32, #tpu.memory_space<hbm>> -> memref<80x128xf32, #tpu.memory_space<hbm>>
      tpu.enqueue_dma source(%dma_start3A_135 : memref<80x128xf32, #tpu.memory_space<hbm>>) target(%dma_start3A_133 : memref<80x128xf32, #tpu.memory_space<vmem>>) target_semaphore(%arg14 : memref<!tpu.dma_semaphore, #tpu.memory_space<semaphore_mem>>)
      %mul3A_136 = arith.constant 80 : i32
      %mul3A_137 = arith.muli %mul3A_93, %mul3A_136 : i32
      %add3A_138 = arith.addi %mul3A_2, %mul3A_137 : i32
      %mul3A_139 = arith.constant 80 : i32
      %mul3A_140 = arith.muli %mul3A_93, %mul3A_139 : i32
      %dma_wait3A_141 = arith.constant 0 : i32
      %dma_wait3A_142 = arith.constant 0 : i32
      %dma_wait3A_143 = arith.constant 0 : i32
      %dma_wait3A_144 = tpu.memref_slice %arg9[%dma_wait3A_141, %dma_wait3A_142, %dma_wait3A_143] : memref<2x80x128xf32, #tpu.memory_space<vmem>> -> memref<1x80x128xf32, #tpu.memory_space<vmem>>
      %dma_wait3A_145 = tpu.memref_squeeze %dma_wait3A_144 : memref<1x80x128xf32, #tpu.memory_space<vmem>> -> memref<80x128xf32, #tpu.memory_space<vmem>>
      %dma_wait3A_146 = tpu.memref_slice %arg10[%mul3A_140] : memref<10000xi32, #tpu.memory_space<vmem>> -> memref<80xi32, #tpu.memory_space<vmem>>
      %dma_wait3A_147 = arith.constant 0 : i32
      %dma_wait3A_148 = arith.constant 0 : i32
      %dma_wait3A_149 = tpu.memref_slice %arg5[%dma_wait3A_147, %dma_wait3A_148] : memref<1000x128xf32, #tpu.memory_space<hbm>> -> memref<1000x128xf32, #tpu.memory_space<hbm>>
      tpu.wait_indirect_dma semaphore(%arg13 : memref<!tpu.dma_semaphore, #tpu.memory_space<semaphore_mem>>) src(%dma_wait3A_149 : memref<1000x128xf32, #tpu.memory_space<hbm>>) dst(%dma_wait3A_145 : memref<80x128xf32, #tpu.memory_space<vmem>>)
      %dma_wait3A_150 = arith.constant 0 : i32
      %dma_wait3A_151 = arith.constant 0 : i32
      %dma_wait3A_152 = arith.constant 0 : i32
      %dma_wait3A_153 = tpu.memref_slice %arg7[%dma_wait3A_150, %dma_wait3A_151, %dma_wait3A_152] : memref<2x80x128xf32, #tpu.memory_space<vmem>> -> memref<1x80x128xf32, #tpu.memory_space<vmem>>
      %dma_wait3A_154 = tpu.memref_squeeze %dma_wait3A_153 : memref<1x80x128xf32, #tpu.memory_space<vmem>> -> memref<80x128xf32, #tpu.memory_space<vmem>>
      %dma_wait3A_155 = arith.constant 0 : i32
      %dma_wait3A_156 = tpu.memref_slice %arg2[%add3A_138, %dma_wait3A_155] : memref<320000x128xf32, #tpu.memory_space<hbm>> -> memref<80x128xf32, #tpu.memory_space<hbm>>
      %dma_wait3A_157 = arith.constant 0 : i32
      %dma_wait3A_158 = arith.constant 0 : i32
      %dma_wait3A_159 = tpu.memref_slice %arg7[%dma_wait3A_150, %dma_wait3A_157, %dma_wait3A_158] : memref<2x80x128xf32, #tpu.memory_space<vmem>> -> memref<1x80x128xf32, #tpu.memory_space<vmem>>
      %dma_wait3A_160 = tpu.memref_squeeze %dma_wait3A_159 : memref<1x80x128xf32, #tpu.memory_space<vmem>> -> memref<80x128xf32, #tpu.memory_space<vmem>>
      %dma_wait3A_161 = arith.constant 0 : i32
      %dma_wait3A_162 = tpu.memref_slice %arg2[%add3A_138, %dma_wait3A_161] : memref<320000x128xf32, #tpu.memory_space<hbm>> -> memref<80x128xf32, #tpu.memory_space<hbm>>
      tpu.wait_dma2 semaphore(%arg13 : memref<!tpu.dma_semaphore, #tpu.memory_space<semaphore_mem>>) src(%dma_wait3A_162 : memref<80x128xf32, #tpu.memory_space<hbm>>) dst(%dma_wait3A_160 : memref<80x128xf32, #tpu.memory_space<vmem>>)
      %dma_wait3A_163 = arith.constant 0 : i32
      %dma_wait3A_164 = arith.constant 0 : i32
      %dma_wait3A_165 = arith.constant 0 : i32
      %dma_wait3A_166 = tpu.memref_slice %arg8[%dma_wait3A_163, %dma_wait3A_164, %dma_wait3A_165] : memref<2x80x128xf32, #tpu.memory_space<vmem>> -> memref<1x80x128xf32, #tpu.memory_space<vmem>>
      %dma_wait3A_167 = tpu.memref_squeeze %dma_wait3A_166 : memref<1x80x128xf32, #tpu.memory_space<vmem>> -> memref<80x128xf32, #tpu.memory_space<vmem>>
      %dma_wait3A_168 = arith.constant 0 : i32
      %dma_wait3A_169 = tpu.memref_slice %arg3[%add3A_138, %dma_wait3A_168] : memref<320000x128xf32, #tpu.memory_space<hbm>> -> memref<80x128xf32, #tpu.memory_space<hbm>>
      %dma_wait3A_170 = arith.constant 0 : i32
      %dma_wait3A_171 = arith.constant 0 : i32
      %dma_wait3A_172 = tpu.memref_slice %arg8[%dma_wait3A_163, %dma_wait3A_170, %dma_wait3A_171] : memref<2x80x128xf32, #tpu.memory_space<vmem>> -> memref<1x80x128xf32, #tpu.memory_space<vmem>>
      %dma_wait3A_173 = tpu.memref_squeeze %dma_wait3A_172 : memref<1x80x128xf32, #tpu.memory_space<vmem>> -> memref<80x128xf32, #tpu.memory_space<vmem>>
      %dma_wait3A_174 = arith.constant 0 : i32
      %dma_wait3A_175 = tpu.memref_slice %arg3[%add3A_138, %dma_wait3A_174] : memref<320000x128xf32, #tpu.memory_space<hbm>> -> memref<80x128xf32, #tpu.memory_space<hbm>>
      tpu.wait_dma2 semaphore(%arg13 : memref<!tpu.dma_semaphore, #tpu.memory_space<semaphore_mem>>) src(%dma_wait3A_175 : memref<80x128xf32, #tpu.memory_space<hbm>>) dst(%dma_wait3A_173 : memref<80x128xf32, #tpu.memory_space<vmem>>)
      %mul3A_176 = arith.constant 16 : i32
      %mul3A_177 = vector.broadcast %mul3A_176 : i32 to vector<16xi32>
      %mul3A_178 = arith.muli %iota3A, %mul3A_177 : vector<16xi32>
      %scan3A_179 = arith.constant 0 : i32
      %scan3A_180 = arith.constant 0 : i32
      %scan3A_181 = arith.constant 5 : i32
      %scan3A_182 = arith.addi %scan3A_180, %scan3A_181 : i32
      %scan3A_183 = arith.constant 1 : i32
      scf.for %scan3A_280 = %scan3A_180 to %scan3A_182 step %scan3A_183  : i32 {
        %mul3A_281 = arith.constant 16 : i32
        %mul3A_282 = arith.muli %scan3A_280, %mul3A_281 : i32
        %parallel_loop3A = arith.constant 0 : i32
        %parallel_loop3A_283 = arith.constant 16 : i32
        %parallel_loop3A_284 = arith.constant 1 : i32
        scf.for %parallel_loop3A_335 = %parallel_loop3A to %parallel_loop3A_283 step %parallel_loop3A_284  : i32 {
          %parallel_loop3A_336 = arith.addi %mul3A_282, %parallel_loop3A_335 : i32
          %parallel_loop3A_337 = arith.constant 0 : i32
          %parallel_loop3A_338 = arith.index_cast %parallel_loop3A_337 : i32 to index
          %parallel_loop3A_339 = arith.index_cast %parallel_loop3A_336 : i32 to index
          %parallel_loop3A_340 = arith.constant 0 : index
          %parallel_loop3A_341 = tpu.vector_load %arg7[%parallel_loop3A_338, %parallel_loop3A_339, %parallel_loop3A_340] {strides = array<i32>} : memref<2x80x128xf32, #tpu.memory_space<vmem>>, vector<16xf32>,
          %parallel_loop3A_342 = arith.constant 0 : i32
          %parallel_loop3A_343 = arith.index_cast %parallel_loop3A_342 : i32 to index
          %parallel_loop3A_344 = arith.index_cast %parallel_loop3A_336 : i32 to index
          %parallel_loop3A_345 = arith.constant 0 : index
          %parallel_loop3A_346 = tpu.vector_load %arg8[%parallel_loop3A_343, %parallel_loop3A_344, %parallel_loop3A_345] {strides = array<i32>} : memref<2x80x128xf32, #tpu.memory_space<vmem>>, vector<16xf32>,
          %parallel_loop3A_347 = arith.mulf %parallel_loop3A_341, %parallel_loop3A_346 : vector<16xf32>
          %parallel_loop3A_348 = arith.constant 0 : i32
          %parallel_loop3A_349 = arith.index_cast %parallel_loop3A_348 : i32 to index
          %parallel_loop3A_350 = arith.index_cast %parallel_loop3A_336 : i32 to index
          %parallel_loop3A_351 = arith.constant 0 : index
          %parallel_loop3A_352 = tpu.vector_load %arg9[%parallel_loop3A_349, %parallel_loop3A_350, %parallel_loop3A_351] {strides = array<i32>} : memref<2x80x128xf32, #tpu.memory_space<vmem>>, vector<16xf32>,
          %parallel_loop3A_353 = arith.mulf %parallel_loop3A_347, %parallel_loop3A_352 : vector<16xf32>
          %parallel_loop3A_354 = arith.constant 0 : i32
          %parallel_loop3A_355 = arith.index_cast %parallel_loop3A_354 : i32 to index
          %parallel_loop3A_356 = arith.index_cast %parallel_loop3A_336 : i32 to index
          %parallel_loop3A_357 = arith.constant 16 : index
          %parallel_loop3A_358 = tpu.vector_load %arg7[%parallel_loop3A_355, %parallel_loop3A_356, %parallel_loop3A_357] {strides = array<i32>} : memref<2x80x128xf32, #tpu.memory_space<vmem>>, vector<16xf32>,
          %parallel_loop3A_359 = arith.constant 0 : i32
          %parallel_loop3A_360 = arith.index_cast %parallel_loop3A_359 : i32 to index
          %parallel_loop3A_361 = arith.index_cast %parallel_loop3A_336 : i32 to index
          %parallel_loop3A_362 = arith.constant 16 : index
          %parallel_loop3A_363 = tpu.vector_load %arg8[%parallel_loop3A_360, %parallel_loop3A_361, %parallel_loop3A_362] {strides = array<i32>} : memref<2x80x128xf32, #tpu.memory_space<vmem>>, vector<16xf32>,
          %parallel_loop3A_364 = arith.mulf %parallel_loop3A_358, %parallel_loop3A_363 : vector<16xf32>
          %parallel_loop3A_365 = arith.constant 0 : i32
          %parallel_loop3A_366 = arith.index_cast %parallel_loop3A_365 : i32 to index
          %parallel_loop3A_367 = arith.index_cast %parallel_loop3A_336 : i32 to index
          %parallel_loop3A_368 = arith.constant 16 : index
          %parallel_loop3A_369 = tpu.vector_load %arg9[%parallel_loop3A_366, %parallel_loop3A_367, %parallel_loop3A_368] {strides = array<i32>} : memref<2x80x128xf32, #tpu.memory_space<vmem>>, vector<16xf32>,
          %parallel_loop3A_370 = arith.mulf %parallel_loop3A_364, %parallel_loop3A_369 : vector<16xf32>
          %parallel_loop3A_371 = arith.addf %parallel_loop3A_353, %parallel_loop3A_370 : vector<16xf32>
          %parallel_loop3A_372 = arith.constant 0 : i32
          %parallel_loop3A_373 = arith.index_cast %parallel_loop3A_372 : i32 to index
          %parallel_loop3A_374 = arith.index_cast %parallel_loop3A_336 : i32 to index
          %parallel_loop3A_375 = arith.constant 32 : index
          %parallel_loop3A_376 = tpu.vector_load %arg7[%parallel_loop3A_373, %parallel_loop3A_374, %parallel_loop3A_375] {strides = array<i32>} : memref<2x80x128xf32, #tpu.memory_space<vmem>>, vector<16xf32>,
          %parallel_loop3A_377 = arith.constant 0 : i32
          %parallel_loop3A_378 = arith.index_cast %parallel_loop3A_377 : i32 to index
          %parallel_loop3A_379 = arith.index_cast %parallel_loop3A_336 : i32 to index
          %parallel_loop3A_380 = arith.constant 32 : index
          %parallel_loop3A_381 = tpu.vector_load %arg8[%parallel_loop3A_378, %parallel_loop3A_379, %parallel_loop3A_380] {strides = array<i32>} : memref<2x80x128xf32, #tpu.memory_space<vmem>>, vector<16xf32>,
          %parallel_loop3A_382 = arith.mulf %parallel_loop3A_376, %parallel_loop3A_381 : vector<16xf32>
          %parallel_loop3A_383 = arith.constant 0 : i32
          %parallel_loop3A_384 = arith.index_cast %parallel_loop3A_383 : i32 to index
          %parallel_loop3A_385 = arith.index_cast %parallel_loop3A_336 : i32 to index
          %parallel_loop3A_386 = arith.constant 32 : index
          %parallel_loop3A_387 = tpu.vector_load %arg9[%parallel_loop3A_384, %parallel_loop3A_385, %parallel_loop3A_386] {strides = array<i32>} : memref<2x80x128xf32, #tpu.memory_space<vmem>>, vector<16xf32>,
          %parallel_loop3A_388 = arith.mulf %parallel_loop3A_382, %parallel_loop3A_387 : vector<16xf32>
          %parallel_loop3A_389 = arith.addf %parallel_loop3A_371, %parallel_loop3A_388 : vector<16xf32>
          %parallel_loop3A_390 = arith.constant 0 : i32
          %parallel_loop3A_391 = arith.index_cast %parallel_loop3A_390 : i32 to index
          %parallel_loop3A_392 = arith.index_cast %parallel_loop3A_336 : i32 to index
          %parallel_loop3A_393 = arith.constant 48 : index
          %parallel_loop3A_394 = tpu.vector_load %arg7[%parallel_loop3A_391, %parallel_loop3A_392, %parallel_loop3A_393] {strides = array<i32>} : memref<2x80x128xf32, #tpu.memory_space<vmem>>, vector<16xf32>,
          %parallel_loop3A_395 = arith.constant 0 : i32
          %parallel_loop3A_396 = arith.index_cast %parallel_loop3A_395 : i32 to index
          %parallel_loop3A_397 = arith.index_cast %parallel_loop3A_336 : i32 to index
          %parallel_loop3A_398 = arith.constant 48 : index
          %parallel_loop3A_399 = tpu.vector_load %arg8[%parallel_loop3A_396, %parallel_loop3A_397, %parallel_loop3A_398] {strides = array<i32>} : memref<2x80x128xf32, #tpu.memory_space<vmem>>, vector<16xf32>,
          %parallel_loop3A_400 = arith.mulf %parallel_loop3A_394, %parallel_loop3A_399 : vector<16xf32>
          %parallel_loop3A_401 = arith.constant 0 : i32
          %parallel_loop3A_402 = arith.index_cast %parallel_loop3A_401 : i32 to index
          %parallel_loop3A_403 = arith.index_cast %parallel_loop3A_336 : i32 to index
          %parallel_loop3A_404 = arith.constant 48 : index
          %parallel_loop3A_405 = tpu.vector_load %arg9[%parallel_loop3A_402, %parallel_loop3A_403, %parallel_loop3A_404] {strides = array<i32>} : memref<2x80x128xf32, #tpu.memory_space<vmem>>, vector<16xf32>,
          %parallel_loop3A_406 = arith.mulf %parallel_loop3A_400, %parallel_loop3A_405 : vector<16xf32>
          %parallel_loop3A_407 = arith.addf %parallel_loop3A_389, %parallel_loop3A_406 : vector<16xf32>
          %parallel_loop3A_408 = arith.constant 0 : i32
          %parallel_loop3A_409 = arith.index_cast %parallel_loop3A_408 : i32 to index
          %parallel_loop3A_410 = arith.index_cast %parallel_loop3A_336 : i32 to index
          %parallel_loop3A_411 = arith.constant 64 : index
          %parallel_loop3A_412 = tpu.vector_load %arg7[%parallel_loop3A_409, %parallel_loop3A_410, %parallel_loop3A_411] {strides = array<i32>} : memref<2x80x128xf32, #tpu.memory_space<vmem>>, vector<16xf32>,
          %parallel_loop3A_413 = arith.constant 0 : i32
          %parallel_loop3A_414 = arith.index_cast %parallel_loop3A_413 : i32 to index
          %parallel_loop3A_415 = arith.index_cast %parallel_loop3A_336 : i32 to index
          %parallel_loop3A_416 = arith.constant 64 : index
          %parallel_loop3A_417 = tpu.vector_load %arg8[%parallel_loop3A_414, %parallel_loop3A_415, %parallel_loop3A_416] {strides = array<i32>} : memref<2x80x128xf32, #tpu.memory_space<vmem>>, vector<16xf32>,
          %parallel_loop3A_418 = arith.mulf %parallel_loop3A_412, %parallel_loop3A_417 : vector<16xf32>
          %parallel_loop3A_419 = arith.constant 0 : i32
          %parallel_loop3A_420 = arith.index_cast %parallel_loop3A_419 : i32 to index
          %parallel_loop3A_421 = arith.index_cast %parallel_loop3A_336 : i32 to index
          %parallel_loop3A_422 = arith.constant 64 : index
          %parallel_loop3A_423 = tpu.vector_load %arg9[%parallel_loop3A_420, %parallel_loop3A_421, %parallel_loop3A_422] {strides = array<i32>} : memref<2x80x128xf32, #tpu.memory_space<vmem>>, vector<16xf32>,
          %parallel_loop3A_424 = arith.mulf %parallel_loop3A_418, %parallel_loop3A_423 : vector<16xf32>
          %parallel_loop3A_425 = arith.addf %parallel_loop3A_407, %parallel_loop3A_424 : vector<16xf32>
          %parallel_loop3A_426 = arith.constant 0 : i32
          %parallel_loop3A_427 = arith.index_cast %parallel_loop3A_426 : i32 to index
          %parallel_loop3A_428 = arith.index_cast %parallel_loop3A_336 : i32 to index
          %parallel_loop3A_429 = arith.constant 80 : index
          %parallel_loop3A_430 = tpu.vector_load %arg7[%parallel_loop3A_427, %parallel_loop3A_428, %parallel_loop3A_429] {strides = array<i32>} : memref<2x80x128xf32, #tpu.memory_space<vmem>>, vector<16xf32>,
          %parallel_loop3A_431 = arith.constant 0 : i32
          %parallel_loop3A_432 = arith.index_cast %parallel_loop3A_431 : i32 to index
          %parallel_loop3A_433 = arith.index_cast %parallel_loop3A_336 : i32 to index
          %parallel_loop3A_434 = arith.constant 80 : index
          %parallel_loop3A_435 = tpu.vector_load %arg8[%parallel_loop3A_432, %parallel_loop3A_433, %parallel_loop3A_434] {strides = array<i32>} : memref<2x80x128xf32, #tpu.memory_space<vmem>>, vector<16xf32>,
          %parallel_loop3A_436 = arith.mulf %parallel_loop3A_430, %parallel_loop3A_435 : vector<16xf32>
          %parallel_loop3A_437 = arith.constant 0 : i32
          %parallel_loop3A_438 = arith.index_cast %parallel_loop3A_437 : i32 to index
          %parallel_loop3A_439 = arith.index_cast %parallel_loop3A_336 : i32 to index
          %parallel_loop3A_440 = arith.constant 80 : index
          %parallel_loop3A_441 = tpu.vector_load %arg9[%parallel_loop3A_438, %parallel_loop3A_439, %parallel_loop3A_440] {strides = array<i32>} : memref<2x80x128xf32, #tpu.memory_space<vmem>>, vector<16xf32>,
          %parallel_loop3A_442 = arith.mulf %parallel_loop3A_436, %parallel_loop3A_441 : vector<16xf32>
          %parallel_loop3A_443 = arith.addf %parallel_loop3A_425, %parallel_loop3A_442 : vector<16xf32>
          %parallel_loop3A_444 = arith.constant 0 : i32
          %parallel_loop3A_445 = arith.index_cast %parallel_loop3A_444 : i32 to index
          %parallel_loop3A_446 = arith.index_cast %parallel_loop3A_336 : i32 to index
          %parallel_loop3A_447 = arith.constant 96 : index
          %parallel_loop3A_448 = tpu.vector_load %arg7[%parallel_loop3A_445, %parallel_loop3A_446, %parallel_loop3A_447] {strides = array<i32>} : memref<2x80x128xf32, #tpu.memory_space<vmem>>, vector<16xf32>,
          %parallel_loop3A_449 = arith.constant 0 : i32
          %parallel_loop3A_450 = arith.index_cast %parallel_loop3A_449 : i32 to index
          %parallel_loop3A_451 = arith.index_cast %parallel_loop3A_336 : i32 to index
          %parallel_loop3A_452 = arith.constant 96 : index
          %parallel_loop3A_453 = tpu.vector_load %arg8[%parallel_loop3A_450, %parallel_loop3A_451, %parallel_loop3A_452] {strides = array<i32>} : memref<2x80x128xf32, #tpu.memory_space<vmem>>, vector<16xf32>,
          %parallel_loop3A_454 = arith.mulf %parallel_loop3A_448, %parallel_loop3A_453 : vector<16xf32>
          %parallel_loop3A_455 = arith.constant 0 : i32
          %parallel_loop3A_456 = arith.index_cast %parallel_loop3A_455 : i32 to index
          %parallel_loop3A_457 = arith.index_cast %parallel_loop3A_336 : i32 to index
          %parallel_loop3A_458 = arith.constant 96 : index
          %parallel_loop3A_459 = tpu.vector_load %arg9[%parallel_loop3A_456, %parallel_loop3A_457, %parallel_loop3A_458] {strides = array<i32>} : memref<2x80x128xf32, #tpu.memory_space<vmem>>, vector<16xf32>,
          %parallel_loop3A_460 = arith.mulf %parallel_loop3A_454, %parallel_loop3A_459 : vector<16xf32>
          %parallel_loop3A_461 = arith.addf %parallel_loop3A_443, %parallel_loop3A_460 : vector<16xf32>
          %parallel_loop3A_462 = arith.constant 0 : i32
          %parallel_loop3A_463 = arith.index_cast %parallel_loop3A_462 : i32 to index
          %parallel_loop3A_464 = arith.index_cast %parallel_loop3A_336 : i32 to index
          %parallel_loop3A_465 = arith.constant 112 : index
          %parallel_loop3A_466 = tpu.vector_load %arg7[%parallel_loop3A_463, %parallel_loop3A_464, %parallel_loop3A_465] {strides = array<i32>} : memref<2x80x128xf32, #tpu.memory_space<vmem>>, vector<16xf32>,
          %parallel_loop3A_467 = arith.constant 0 : i32
          %parallel_loop3A_468 = arith.index_cast %parallel_loop3A_467 : i32 to index
          %parallel_loop3A_469 = arith.index_cast %parallel_loop3A_336 : i32 to index
          %parallel_loop3A_470 = arith.constant 112 : index
          %parallel_loop3A_471 = tpu.vector_load %arg8[%parallel_loop3A_468, %parallel_loop3A_469, %parallel_loop3A_470] {strides = array<i32>} : memref<2x80x128xf32, #tpu.memory_space<vmem>>, vector<16xf32>,
          %parallel_loop3A_472 = arith.mulf %parallel_loop3A_466, %parallel_loop3A_471 : vector<16xf32>
          %parallel_loop3A_473 = arith.constant 0 : i32
          %parallel_loop3A_474 = arith.index_cast %parallel_loop3A_473 : i32 to index
          %parallel_loop3A_475 = arith.index_cast %parallel_loop3A_336 : i32 to index
          %parallel_loop3A_476 = arith.constant 112 : index
          %parallel_loop3A_477 = tpu.vector_load %arg9[%parallel_loop3A_474, %parallel_loop3A_475, %parallel_loop3A_476] {strides = array<i32>} : memref<2x80x128xf32, #tpu.memory_space<vmem>>, vector<16xf32>,
          %parallel_loop3A_478 = arith.mulf %parallel_loop3A_472, %parallel_loop3A_477 : vector<16xf32>
          %parallel_loop3A_479 = arith.addf %parallel_loop3A_461, %parallel_loop3A_478 : vector<16xf32>
          %parallel_loop3A_480 = vector.broadcast %parallel_loop3A_335 : i32 to vector<16xi32>
          %parallel_loop3A_481 = arith.addi %mul3A_178, %parallel_loop3A_480 : vector<16xi32>
          tpu.vector_store_idx %arg12[%parallel_loop3A_481], %parallel_loop3A_479 : memref<256xf32, #tpu.memory_space<vmem>>[vector<16xi32>], vector<16xf32>,
        } {sc.loop_unroll_factor = 4 : i64, sc.parallel_access}
        %get3A = arith.constant 0 : index
        %get3A_285 = tpu.vector_load %arg12[%get3A] {strides = array<i32>} : memref<256xf32, #tpu.memory_space<vmem>>, vector<16xf32>,
        %get3A_286 = arith.constant 16 : index
        %get3A_287 = tpu.vector_load %arg12[%get3A_286] {strides = array<i32>} : memref<256xf32, #tpu.memory_space<vmem>>, vector<16xf32>,
        %add3A_288 = arith.addf %get3A_285, %get3A_287 : vector<16xf32>
        %get3A_289 = arith.constant 32 : index
        %get3A_290 = tpu.vector_load %arg12[%get3A_289] {strides = array<i32>} : memref<256xf32, #tpu.memory_space<vmem>>, vector<16xf32>,
        %add3A_291 = arith.addf %add3A_288, %get3A_290 : vector<16xf32>
        %get3A_292 = arith.constant 48 : index
        %get3A_293 = tpu.vector_load %arg12[%get3A_292] {strides = array<i32>} : memref<256xf32, #tpu.memory_space<vmem>>, vector<16xf32>,
        %add3A_294 = arith.addf %add3A_291, %get3A_293 : vector<16xf32>
        %get3A_295 = arith.constant 64 : index
        %get3A_296 = tpu.vector_load %arg12[%get3A_295] {strides = array<i32>} : memref<256xf32, #tpu.memory_space<vmem>>, vector<16xf32>,
        %add3A_297 = arith.addf %add3A_294, %get3A_296 : vector<16xf32>
        %get3A_298 = arith.constant 80 : index
        %get3A_299 = tpu.vector_load %arg12[%get3A_298] {strides = array<i32>} : memref<256xf32, #tpu.memory_space<vmem>>, vector<16xf32>,
        %add3A_300 = arith.addf %add3A_297, %get3A_299 : vector<16xf32>
        %get3A_301 = arith.constant 96 : index
        %get3A_302 = tpu.vector_load %arg12[%get3A_301] {strides = array<i32>} : memref<256xf32, #tpu.memory_space<vmem>>, vector<16xf32>,
        %add3A_303 = arith.addf %add3A_300, %get3A_302 : vector<16xf32>
        %get3A_304 = arith.constant 112 : index
        %get3A_305 = tpu.vector_load %arg12[%get3A_304] {strides = array<i32>} : memref<256xf32, #tpu.memory_space<vmem>>, vector<16xf32>,
        %add3A_306 = arith.addf %add3A_303, %get3A_305 : vector<16xf32>
        %get3A_307 = arith.constant 128 : index
        %get3A_308 = tpu.vector_load %arg12[%get3A_307] {strides = array<i32>} : memref<256xf32, #tpu.memory_space<vmem>>, vector<16xf32>,
        %add3A_309 = arith.addf %add3A_306, %get3A_308 : vector<16xf32>
        %get3A_310 = arith.constant 144 : index
        %get3A_311 = tpu.vector_load %arg12[%get3A_310] {strides = array<i32>} : memref<256xf32, #tpu.memory_space<vmem>>, vector<16xf32>,
        %add3A_312 = arith.addf %add3A_309, %get3A_311 : vector<16xf32>
        %get3A_313 = arith.constant 160 : index
        %get3A_314 = tpu.vector_load %arg12[%get3A_313] {strides = array<i32>} : memref<256xf32, #tpu.memory_space<vmem>>, vector<16xf32>,
        %add3A_315 = arith.addf %add3A_312, %get3A_314 : vector<16xf32>
        %get3A_316 = arith.constant 176 : index
        %get3A_317 = tpu.vector_load %arg12[%get3A_316] {strides = array<i32>} : memref<256xf32, #tpu.memory_space<vmem>>, vector<16xf32>,
        %add3A_318 = arith.addf %add3A_315, %get3A_317 : vector<16xf32>
        %get3A_319 = arith.constant 192 : index
        %get3A_320 = tpu.vector_load %arg12[%get3A_319] {strides = array<i32>} : memref<256xf32, #tpu.memory_space<vmem>>, vector<16xf32>,
        %add3A_321 = arith.addf %add3A_318, %get3A_320 : vector<16xf32>
        %get3A_322 = arith.constant 208 : index
        %get3A_323 = tpu.vector_load %arg12[%get3A_322] {strides = array<i32>} : memref<256xf32, #tpu.memory_space<vmem>>, vector<16xf32>,
        %add3A_324 = arith.addf %add3A_321, %get3A_323 : vector<16xf32>
        %get3A_325 = arith.constant 224 : index
        %get3A_326 = tpu.vector_load %arg12[%get3A_325] {strides = array<i32>} : memref<256xf32, #tpu.memory_space<vmem>>, vector<16xf32>,
        %add3A_327 = arith.addf %add3A_324, %get3A_326 : vector<16xf32>
        %get3A_328 = arith.constant 240 : index
        %get3A_329 = tpu.vector_load %arg12[%get3A_328] {strides = array<i32>} : memref<256xf32, #tpu.memory_space<vmem>>, vector<16xf32>,
        %add3A_330 = arith.addf %add3A_327, %get3A_329 : vector<16xf32>
        %mul3A_331 = arith.constant 80 : i32
        %mul3A_332 = arith.muli %mul3A_93, %mul3A_331 : i32
        %add3A_333 = arith.addi %mul3A_332, %mul3A_282 : i32
        %swap3A = arith.index_cast %add3A_333 : i32 to index
        %swap3A_334 = tpu.vector_load %arg11[%swap3A] {strides = array<i32>} : memref<10000xf32, #tpu.memory_space<vmem>>, vector<16xf32>,
        tpu.vector_store %arg11[%swap3A], %add3A_330 {strides = array<i32>} : memref<10000xf32, #tpu.memory_space<vmem>>, vector<16xf32>,
      }
      %scan3A_184 = arith.constant 5 : i32
      %add3A_185 = arith.constant 2 : i32
      %add3A_186 = arith.addi %mul3A_93, %add3A_185 : i32
      %mul3A_187 = arith.constant 80 : i32
      %mul3A_188 = arith.muli %add3A_186, %mul3A_187 : i32
      %add3A_189 = arith.addi %mul3A_2, %mul3A_188 : i32
      %mul3A_190 = arith.constant 80 : i32
      %mul3A_191 = arith.muli %add3A_186, %mul3A_190 : i32
      %dma_start3A_192 = arith.constant 0 : i32
      %dma_start3A_193 = arith.constant 0 : i32
      %dma_start3A_194 = arith.constant 0 : i32
      %dma_start3A_195 = tpu.memref_slice %arg9[%dma_start3A_192, %dma_start3A_193, %dma_start3A_194] : memref<2x80x128xf32, #tpu.memory_space<vmem>> -> memref<1x80x128xf32, #tpu.memory_space<vmem>>
      %dma_start3A_196 = tpu.memref_squeeze %dma_start3A_195 : memref<1x80x128xf32, #tpu.memory_space<vmem>> -> memref<80x128xf32, #tpu.memory_space<vmem>>
      %dma_start3A_197 = tpu.memref_slice %arg10[%mul3A_191] : memref<10000xi32, #tpu.memory_space<vmem>> -> memref<80xi32, #tpu.memory_space<vmem>>
      %dma_start3A_198 = arith.constant 0 : i32
      %dma_start3A_199 = arith.constant 0 : i32
      %dma_start3A_200 = tpu.memref_slice %arg5[%dma_start3A_198, %dma_start3A_199] : memref<1000x128xf32, #tpu.memory_space<hbm>> -> memref<1000x128xf32, #tpu.memory_space<hbm>>
      tpu.enqueue_indirect_dma source(%dma_start3A_200 : memref<1000x128xf32, #tpu.memory_space<hbm>>) target(%dma_start3A_196 : memref<80x128xf32, #tpu.memory_space<vmem>>) offsets(%dma_start3A_197 : memref<80xi32, #tpu.memory_space<vmem>>) semaphore(%arg13 : memref<!tpu.dma_semaphore, #tpu.memory_space<semaphore_mem>>)
      %dma_start3A_201 = arith.constant 0 : i32
      %dma_start3A_202 = arith.constant 0 : i32
      %dma_start3A_203 = arith.constant 0 : i32
      %dma_start3A_204 = tpu.memref_slice %arg7[%dma_start3A_201, %dma_start3A_202, %dma_start3A_203] : memref<2x80x128xf32, #tpu.memory_space<vmem>> -> memref<1x80x128xf32, #tpu.memory_space<vmem>>
      %dma_start3A_205 = tpu.memref_squeeze %dma_start3A_204 : memref<1x80x128xf32, #tpu.memory_space<vmem>> -> memref<80x128xf32, #tpu.memory_space<vmem>>
      %dma_start3A_206 = arith.constant 0 : i32
      %dma_start3A_207 = tpu.memref_slice %arg2[%add3A_189, %dma_start3A_206] : memref<320000x128xf32, #tpu.memory_space<hbm>> -> memref<80x128xf32, #tpu.memory_space<hbm>>
      %dma_start3A_208 = arith.constant 0 : i32
      %dma_start3A_209 = arith.constant 0 : i32
      %dma_start3A_210 = tpu.memref_slice %arg7[%dma_start3A_201, %dma_start3A_208, %dma_start3A_209] : memref<2x80x128xf32, #tpu.memory_space<vmem>> -> memref<1x80x128xf32, #tpu.memory_space<vmem>>
      %dma_start3A_211 = tpu.memref_squeeze %dma_start3A_210 : memref<1x80x128xf32, #tpu.memory_space<vmem>> -> memref<80x128xf32, #tpu.memory_space<vmem>>
      %dma_start3A_212 = arith.constant 0 : i32
      %dma_start3A_213 = tpu.memref_slice %arg2[%add3A_189, %dma_start3A_212] : memref<320000x128xf32, #tpu.memory_space<hbm>> -> memref<80x128xf32, #tpu.memory_space<hbm>>
      tpu.enqueue_dma source(%dma_start3A_213 : memref<80x128xf32, #tpu.memory_space<hbm>>) target(%dma_start3A_211 : memref<80x128xf32, #tpu.memory_space<vmem>>) target_semaphore(%arg13 : memref<!tpu.dma_semaphore, #tpu.memory_space<semaphore_mem>>)
      %dma_start3A_214 = arith.constant 0 : i32
      %dma_start3A_215 = arith.constant 0 : i32
      %dma_start3A_216 = arith.constant 0 : i32
      %dma_start3A_217 = tpu.memref_slice %arg8[%dma_start3A_214, %dma_start3A_215, %dma_start3A_216] : memref<2x80x128xf32, #tpu.memory_space<vmem>> -> memref<1x80x128xf32, #tpu.memory_space<vmem>>
      %dma_start3A_218 = tpu.memref_squeeze %dma_start3A_217 : memref<1x80x128xf32, #tpu.memory_space<vmem>> -> memref<80x128xf32, #tpu.memory_space<vmem>>
      %dma_start3A_219 = arith.constant 0 : i32
      %dma_start3A_220 = tpu.memref_slice %arg3[%add3A_189, %dma_start3A_219] : memref<320000x128xf32, #tpu.memory_space<hbm>> -> memref<80x128xf32, #tpu.memory_space<hbm>>
      %dma_start3A_221 = arith.constant 0 : i32
      %dma_start3A_222 = arith.constant 0 : i32
      %dma_start3A_223 = tpu.memref_slice %arg8[%dma_start3A_214, %dma_start3A_221, %dma_start3A_222] : memref<2x80x128xf32, #tpu.memory_space<vmem>> -> memref<1x80x128xf32, #tpu.memory_space<vmem>>
      %dma_start3A_224 = tpu.memref_squeeze %dma_start3A_223 : memref<1x80x128xf32, #tpu.memory_space<vmem>> -> memref<80x128xf32, #tpu.memory_space<vmem>>
      %dma_start3A_225 = arith.constant 0 : i32
      %dma_start3A_226 = tpu.memref_slice %arg3[%add3A_189, %dma_start3A_225] : memref<320000x128xf32, #tpu.memory_space<hbm>> -> memref<80x128xf32, #tpu.memory_space<hbm>>
      tpu.enqueue_dma source(%dma_start3A_226 : memref<80x128xf32, #tpu.memory_space<hbm>>) target(%dma_start3A_224 : memref<80x128xf32, #tpu.memory_space<vmem>>) target_semaphore(%arg13 : memref<!tpu.dma_semaphore, #tpu.memory_space<semaphore_mem>>)
      %add3A_227 = arith.constant 1 : i32
      %add3A_228 = arith.addi %mul3A_93, %add3A_227 : i32
      %mul3A_229 = arith.constant 80 : i32
      %mul3A_230 = arith.muli %add3A_228, %mul3A_229 : i32
      %add3A_231 = arith.addi %mul3A_2, %mul3A_230 : i32
      %mul3A_232 = arith.constant 80 : i32
      %mul3A_233 = arith.muli %add3A_228, %mul3A_232 : i32
      %dma_wait3A_234 = arith.constant 1 : i32
      %dma_wait3A_235 = arith.constant 0 : i32
      %dma_wait3A_236 = arith.constant 0 : i32
      %dma_wait3A_237 = tpu.memref_slice %arg9[%dma_wait3A_234, %dma_wait3A_235, %dma_wait3A_236] : memref<2x80x128xf32, #tpu.memory_space<vmem>> -> memref<1x80x128xf32, #tpu.memory_space<vmem>>
      %dma_wait3A_238 = tpu.memref_squeeze %dma_wait3A_237 : memref<1x80x128xf32, #tpu.memory_space<vmem>> -> memref<80x128xf32, #tpu.memory_space<vmem>>
      %dma_wait3A_239 = tpu.memref_slice %arg10[%mul3A_233] : memref<10000xi32, #tpu.memory_space<vmem>> -> memref<80xi32, #tpu.memory_space<vmem>>
      %dma_wait3A_240 = arith.constant 0 : i32
      %dma_wait3A_241 = arith.constant 0 : i32
      %dma_wait3A_242 = tpu.memref_slice %arg5[%dma_wait3A_240, %dma_wait3A_241] : memref<1000x128xf32, #tpu.memory_space<hbm>> -> memref<1000x128xf32, #tpu.memory_space<hbm>>
      tpu.wait_indirect_dma semaphore(%arg14 : memref<!tpu.dma_semaphore, #tpu.memory_space<semaphore_mem>>) src(%dma_wait3A_242 : memref<1000x128xf32, #tpu.memory_space<hbm>>) dst(%dma_wait3A_238 : memref<80x128xf32, #tpu.memory_space<vmem>>)
      %dma_wait3A_243 = arith.constant 1 : i32
      %dma_wait3A_244 = arith.constant 0 : i32
      %dma_wait3A_245 = arith.constant 0 : i32
      %dma_wait3A_246 = tpu.memref_slice %arg7[%dma_wait3A_243, %dma_wait3A_244, %dma_wait3A_245] : memref<2x80x128xf32, #tpu.memory_space<vmem>> -> memref<1x80x128xf32, #tpu.memory_space<vmem>>
      %dma_wait3A_247 = tpu.memref_squeeze %dma_wait3A_246 : memref<1x80x128xf32, #tpu.memory_space<vmem>> -> memref<80x128xf32, #tpu.memory_space<vmem>>
      %dma_wait3A_248 = arith.constant 0 : i32
      %dma_wait3A_249 = tpu.memref_slice %arg2[%add3A_231, %dma_wait3A_248] : memref<320000x128xf32, #tpu.memory_space<hbm>> -> memref<80x128xf32, #tpu.memory_space<hbm>>
      %dma_wait3A_250 = arith.constant 0 : i32
      %dma_wait3A_251 = arith.constant 0 : i32
      %dma_wait3A_252 = tpu.memref_slice %arg7[%dma_wait3A_243, %dma_wait3A_250, %dma_wait3A_251] : memref<2x80x128xf32, #tpu.memory_space<vmem>> -> memref<1x80x128xf32, #tpu.memory_space<vmem>>
      %dma_wait3A_253 = tpu.memref_squeeze %dma_wait3A_252 : memref<1x80x128xf32, #tpu.memory_space<vmem>> -> memref<80x128xf32, #tpu.memory_space<vmem>>
      %dma_wait3A_254 = arith.constant 0 : i32
      %dma_wait3A_255 = tpu.memref_slice %arg2[%add3A_231, %dma_wait3A_254] : memref<320000x128xf32, #tpu.memory_space<hbm>> -> memref<80x128xf32, #tpu.memory_space<hbm>>
      tpu.wait_dma2 semaphore(%arg14 : memref<!tpu.dma_semaphore, #tpu.memory_space<semaphore_mem>>) src(%dma_wait3A_255 : memref<80x128xf32, #tpu.memory_space<hbm>>) dst(%dma_wait3A_253 : memref<80x128xf32, #tpu.memory_space<vmem>>)
      %dma_wait3A_256 = arith.constant 1 : i32
      %dma_wait3A_257 = arith.constant 0 : i32
      %dma_wait3A_258 = arith.constant 0 : i32
      %dma_wait3A_259 = tpu.memref_slice %arg8[%dma_wait3A_256, %dma_wait3A_257, %dma_wait3A_258] : memref<2x80x128xf32, #tpu.memory_space<vmem>> -> memref<1x80x128xf32, #tpu.memory_space<vmem>>
      %dma_wait3A_260 = tpu.memref_squeeze %dma_wait3A_259 : memref<1x80x128xf32, #tpu.memory_space<vmem>> -> memref<80x128xf32, #tpu.memory_space<vmem>>
      %dma_wait3A_261 = arith.constant 0 : i32
      %dma_wait3A_262 = tpu.memref_slice %arg3[%add3A_231, %dma_wait3A_261] : memref<320000x128xf32, #tpu.memory_space<hbm>> -> memref<80x128xf32, #tpu.memory_space<hbm>>
      %dma_wait3A_263 = arith.constant 0 : i32
      %dma_wait3A_264 = arith.constant 0 : i32
      %dma_wait3A_265 = tpu.memref_slice %arg8[%dma_wait3A_256, %dma_wait3A_263, %dma_wait3A_264] : memref<2x80x128xf32, #tpu.memory_space<vmem>> -> memref<1x80x128xf32, #tpu.memory_space<vmem>>
      %dma_wait3A_266 = tpu.memref_squeeze %dma_wait3A_265 : memref<1x80x128xf32, #tpu.memory_space<vmem>> -> memref<80x128xf32, #tpu.memory_space<vmem>>
      %dma_wait3A_267 = arith.constant 0 : i32
      %dma_wait3A_268 = tpu.memref_slice %arg3[%add3A_231, %dma_wait3A_267] : memref<320000x128xf32, #tpu.memory_space<hbm>> -> memref<80x128xf32, #tpu.memory_space<hbm>>
      tpu.wait_dma2 semaphore(%arg14 : memref<!tpu.dma_semaphore, #tpu.memory_space<semaphore_mem>>) src(%dma_wait3A_268 : memref<80x128xf32, #tpu.memory_space<hbm>>) dst(%dma_wait3A_266 : memref<80x128xf32, #tpu.memory_space<vmem>>)
      %add3A_269 = arith.constant 1 : i32
      %add3A_270 = arith.addi %mul3A_93, %add3A_269 : i32
      %mul3A_271 = arith.constant 16 : i32
      %mul3A_272 = vector.broadcast %mul3A_271 : i32 to vector<16xi32>
      %mul3A_273 = arith.muli %iota3A, %mul3A_272 : vector<16xi32>
      %scan3A_274 = arith.constant 0 : i32
      %scan3A_275 = arith.constant 0 : i32
      %scan3A_276 = arith.constant 5 : i32
      %scan3A_277 = arith.addi %scan3A_275, %scan3A_276 : i32
      %scan3A_278 = arith.constant 1 : i32
      scf.for %scan3A_280 = %scan3A_275 to %scan3A_277 step %scan3A_278  : i32 {
        %mul3A_281 = arith.constant 16 : i32
        %mul3A_282 = arith.muli %scan3A_280, %mul3A_281 : i32
        %parallel_loop3A = arith.constant 0 : i32
        %parallel_loop3A_283 = arith.constant 16 : i32
        %parallel_loop3A_284 = arith.constant 1 : i32
        scf.for %parallel_loop3A_335 = %parallel_loop3A to %parallel_loop3A_283 step %parallel_loop3A_284  : i32 {
          %parallel_loop3A_336 = arith.addi %mul3A_282, %parallel_loop3A_335 : i32
          %parallel_loop3A_337 = arith.constant 1 : i32
          %parallel_loop3A_338 = arith.index_cast %parallel_loop3A_337 : i32 to index
          %parallel_loop3A_339 = arith.index_cast %parallel_loop3A_336 : i32 to index
          %parallel_loop3A_340 = arith.constant 0 : index
          %parallel_loop3A_341 = tpu.vector_load %arg7[%parallel_loop3A_338, %parallel_loop3A_339, %parallel_loop3A_340] {strides = array<i32>} : memref<2x80x128xf32, #tpu.memory_space<vmem>>, vector<16xf32>,
          %parallel_loop3A_342 = arith.constant 1 : i32
          %parallel_loop3A_343 = arith.index_cast %parallel_loop3A_342 : i32 to index
          %parallel_loop3A_344 = arith.index_cast %parallel_loop3A_336 : i32 to index
          %parallel_loop3A_345 = arith.constant 0 : index
          %parallel_loop3A_346 = tpu.vector_load %arg8[%parallel_loop3A_343, %parallel_loop3A_344, %parallel_loop3A_345] {strides = array<i32>} : memref<2x80x128xf32, #tpu.memory_space<vmem>>, vector<16xf32>,
          %parallel_loop3A_347 = arith.mulf %parallel_loop3A_341, %parallel_loop3A_346 : vector<16xf32>
          %parallel_loop3A_348 = arith.constant 1 : i32
          %parallel_loop3A_349 = arith.index_cast %parallel_loop3A_348 : i32 to index
          %parallel_loop3A_350 = arith.index_cast %parallel_loop3A_336 : i32 to index
          %parallel_loop3A_351 = arith.constant 0 : index
          %parallel_loop3A_352 = tpu.vector_load %arg9[%parallel_loop3A_349, %parallel_loop3A_350, %parallel_loop3A_351] {strides = array<i32>} : memref<2x80x128xf32, #tpu.memory_space<vmem>>, vector<16xf32>,
          %parallel_loop3A_353 = arith.mulf %parallel_loop3A_347, %parallel_loop3A_352 : vector<16xf32>
          %parallel_loop3A_354 = arith.constant 1 : i32
          %parallel_loop3A_355 = arith.index_cast %parallel_loop3A_354 : i32 to index
          %parallel_loop3A_356 = arith.index_cast %parallel_loop3A_336 : i32 to index
          %parallel_loop3A_357 = arith.constant 16 : index
          %parallel_loop3A_358 = tpu.vector_load %arg7[%parallel_loop3A_355, %parallel_loop3A_356, %parallel_loop3A_357] {strides = array<i32>} : memref<2x80x128xf32, #tpu.memory_space<vmem>>, vector<16xf32>,
          %parallel_loop3A_359 = arith.constant 1 : i32
          %parallel_loop3A_360 = arith.index_cast %parallel_loop3A_359 : i32 to index
          %parallel_loop3A_361 = arith.index_cast %parallel_loop3A_336 : i32 to index
          %parallel_loop3A_362 = arith.constant 16 : index
          %parallel_loop3A_363 = tpu.vector_load %arg8[%parallel_loop3A_360, %parallel_loop3A_361, %parallel_loop3A_362] {strides = array<i32>} : memref<2x80x128xf32, #tpu.memory_space<vmem>>, vector<16xf32>,
          %parallel_loop3A_364 = arith.mulf %parallel_loop3A_358, %parallel_loop3A_363 : vector<16xf32>
          %parallel_loop3A_365 = arith.constant 1 : i32
          %parallel_loop3A_366 = arith.index_cast %parallel_loop3A_365 : i32 to index
          %parallel_loop3A_367 = arith.index_cast %parallel_loop3A_336 : i32 to index
          %parallel_loop3A_368 = arith.constant 16 : index
          %parallel_loop3A_369 = tpu.vector_load %arg9[%parallel_loop3A_366, %parallel_loop3A_367, %parallel_loop3A_368] {strides = array<i32>} : memref<2x80x128xf32, #tpu.memory_space<vmem>>, vector<16xf32>,
          %parallel_loop3A_370 = arith.mulf %parallel_loop3A_364, %parallel_loop3A_369 : vector<16xf32>
          %parallel_loop3A_371 = arith.addf %parallel_loop3A_353, %parallel_loop3A_370 : vector<16xf32>
          %parallel_loop3A_372 = arith.constant 1 : i32
          %parallel_loop3A_373 = arith.index_cast %parallel_loop3A_372 : i32 to index
          %parallel_loop3A_374 = arith.index_cast %parallel_loop3A_336 : i32 to index
          %parallel_loop3A_375 = arith.constant 32 : index
          %parallel_loop3A_376 = tpu.vector_load %arg7[%parallel_loop3A_373, %parallel_loop3A_374, %parallel_loop3A_375] {strides = array<i32>} : memref<2x80x128xf32, #tpu.memory_space<vmem>>, vector<16xf32>,
          %parallel_loop3A_377 = arith.constant 1 : i32
          %parallel_loop3A_378 = arith.index_cast %parallel_loop3A_377 : i32 to index
          %parallel_loop3A_379 = arith.index_cast %parallel_loop3A_336 : i32 to index
          %parallel_loop3A_380 = arith.constant 32 : index
          %parallel_loop3A_381 = tpu.vector_load %arg8[%parallel_loop3A_378, %parallel_loop3A_379, %parallel_loop3A_380] {strides = array<i32>} : memref<2x80x128xf32, #tpu.memory_space<vmem>>, vector<16xf32>,
          %parallel_loop3A_382 = arith.mulf %parallel_loop3A_376, %parallel_loop3A_381 : vector<16xf32>
          %parallel_loop3A_383 = arith.constant 1 : i32
          %parallel_loop3A_384 = arith.index_cast %parallel_loop3A_383 : i32 to index
          %parallel_loop3A_385 = arith.index_cast %parallel_loop3A_336 : i32 to index
          %parallel_loop3A_386 = arith.constant 32 : index
          %parallel_loop3A_387 = tpu.vector_load %arg9[%parallel_loop3A_384, %parallel_loop3A_385, %parallel_loop3A_386] {strides = array<i32>} : memref<2x80x128xf32, #tpu.memory_space<vmem>>, vector<16xf32>,
          %parallel_loop3A_388 = arith.mulf %parallel_loop3A_382, %parallel_loop3A_387 : vector<16xf32>
          %parallel_loop3A_389 = arith.addf %parallel_loop3A_371, %parallel_loop3A_388 : vector<16xf32>
          %parallel_loop3A_390 = arith.constant 1 : i32
          %parallel_loop3A_391 = arith.index_cast %parallel_loop3A_390 : i32 to index
          %parallel_loop3A_392 = arith.index_cast %parallel_loop3A_336 : i32 to index
          %parallel_loop3A_393 = arith.constant 48 : index
          %parallel_loop3A_394 = tpu.vector_load %arg7[%parallel_loop3A_391, %parallel_loop3A_392, %parallel_loop3A_393] {strides = array<i32>} : memref<2x80x128xf32, #tpu.memory_space<vmem>>, vector<16xf32>,
          %parallel_loop3A_395 = arith.constant 1 : i32
          %parallel_loop3A_396 = arith.index_cast %parallel_loop3A_395 : i32 to index
          %parallel_loop3A_397 = arith.index_cast %parallel_loop3A_336 : i32 to index
          %parallel_loop3A_398 = arith.constant 48 : index
          %parallel_loop3A_399 = tpu.vector_load %arg8[%parallel_loop3A_396, %parallel_loop3A_397, %parallel_loop3A_398] {strides = array<i32>} : memref<2x80x128xf32, #tpu.memory_space<vmem>>, vector<16xf32>,
          %parallel_loop3A_400 = arith.mulf %parallel_loop3A_394, %parallel_loop3A_399 : vector<16xf32>
          %parallel_loop3A_401 = arith.constant 1 : i32
          %parallel_loop3A_402 = arith.index_cast %parallel_loop3A_401 : i32 to index
          %parallel_loop3A_403 = arith.index_cast %parallel_loop3A_336 : i32 to index
          %parallel_loop3A_404 = arith.constant 48 : index
          %parallel_loop3A_405 = tpu.vector_load %arg9[%parallel_loop3A_402, %parallel_loop3A_403, %parallel_loop3A_404] {strides = array<i32>} : memref<2x80x128xf32, #tpu.memory_space<vmem>>, vector<16xf32>,
          %parallel_loop3A_406 = arith.mulf %parallel_loop3A_400, %parallel_loop3A_405 : vector<16xf32>
          %parallel_loop3A_407 = arith.addf %parallel_loop3A_389, %parallel_loop3A_406 : vector<16xf32>
          %parallel_loop3A_408 = arith.constant 1 : i32
          %parallel_loop3A_409 = arith.index_cast %parallel_loop3A_408 : i32 to index
          %parallel_loop3A_410 = arith.index_cast %parallel_loop3A_336 : i32 to index
          %parallel_loop3A_411 = arith.constant 64 : index
          %parallel_loop3A_412 = tpu.vector_load %arg7[%parallel_loop3A_409, %parallel_loop3A_410, %parallel_loop3A_411] {strides = array<i32>} : memref<2x80x128xf32, #tpu.memory_space<vmem>>, vector<16xf32>,
          %parallel_loop3A_413 = arith.constant 1 : i32
          %parallel_loop3A_414 = arith.index_cast %parallel_loop3A_413 : i32 to index
          %parallel_loop3A_415 = arith.index_cast %parallel_loop3A_336 : i32 to index
          %parallel_loop3A_416 = arith.constant 64 : index
          %parallel_loop3A_417 = tpu.vector_load %arg8[%parallel_loop3A_414, %parallel_loop3A_415, %parallel_loop3A_416] {strides = array<i32>} : memref<2x80x128xf32, #tpu.memory_space<vmem>>, vector<16xf32>,
          %parallel_loop3A_418 = arith.mulf %parallel_loop3A_412, %parallel_loop3A_417 : vector<16xf32>
          %parallel_loop3A_419 = arith.constant 1 : i32
          %parallel_loop3A_420 = arith.index_cast %parallel_loop3A_419 : i32 to index
          %parallel_loop3A_421 = arith.index_cast %parallel_loop3A_336 : i32 to index
          %parallel_loop3A_422 = arith.constant 64 : index
          %parallel_loop3A_423 = tpu.vector_load %arg9[%parallel_loop3A_420, %parallel_loop3A_421, %parallel_loop3A_422] {strides = array<i32>} : memref<2x80x128xf32, #tpu.memory_space<vmem>>, vector<16xf32>,
          %parallel_loop3A_424 = arith.mulf %parallel_loop3A_418, %parallel_loop3A_423 : vector<16xf32>
          %parallel_loop3A_425 = arith.addf %parallel_loop3A_407, %parallel_loop3A_424 : vector<16xf32>
          %parallel_loop3A_426 = arith.constant 1 : i32
          %parallel_loop3A_427 = arith.index_cast %parallel_loop3A_426 : i32 to index
          %parallel_loop3A_428 = arith.index_cast %parallel_loop3A_336 : i32 to index
          %parallel_loop3A_429 = arith.constant 80 : index
          %parallel_loop3A_430 = tpu.vector_load %arg7[%parallel_loop3A_427, %parallel_loop3A_428, %parallel_loop3A_429] {strides = array<i32>} : memref<2x80x128xf32, #tpu.memory_space<vmem>>, vector<16xf32>,
          %parallel_loop3A_431 = arith.constant 1 : i32
          %parallel_loop3A_432 = arith.index_cast %parallel_loop3A_431 : i32 to index
          %parallel_loop3A_433 = arith.index_cast %parallel_loop3A_336 : i32 to index
          %parallel_loop3A_434 = arith.constant 80 : index
          %parallel_loop3A_435 = tpu.vector_load %arg8[%parallel_loop3A_432, %parallel_loop3A_433, %parallel_loop3A_434] {strides = array<i32>} : memref<2x80x128xf32, #tpu.memory_space<vmem>>, vector<16xf32>,
          %parallel_loop3A_436 = arith.mulf %parallel_loop3A_430, %parallel_loop3A_435 : vector<16xf32>
          %parallel_loop3A_437 = arith.constant 1 : i32
          %parallel_loop3A_438 = arith.index_cast %parallel_loop3A_437 : i32 to index
          %parallel_loop3A_439 = arith.index_cast %parallel_loop3A_336 : i32 to index
          %parallel_loop3A_440 = arith.constant 80 : index
          %parallel_loop3A_441 = tpu.vector_load %arg9[%parallel_loop3A_438, %parallel_loop3A_439, %parallel_loop3A_440] {strides = array<i32>} : memref<2x80x128xf32, #tpu.memory_space<vmem>>, vector<16xf32>,
          %parallel_loop3A_442 = arith.mulf %parallel_loop3A_436, %parallel_loop3A_441 : vector<16xf32>
          %parallel_loop3A_443 = arith.addf %parallel_loop3A_425, %parallel_loop3A_442 : vector<16xf32>
          %parallel_loop3A_444 = arith.constant 1 : i32
          %parallel_loop3A_445 = arith.index_cast %parallel_loop3A_444 : i32 to index
          %parallel_loop3A_446 = arith.index_cast %parallel_loop3A_336 : i32 to index
          %parallel_loop3A_447 = arith.constant 96 : index
          %parallel_loop3A_448 = tpu.vector_load %arg7[%parallel_loop3A_445, %parallel_loop3A_446, %parallel_loop3A_447] {strides = array<i32>} : memref<2x80x128xf32, #tpu.memory_space<vmem>>, vector<16xf32>,
          %parallel_loop3A_449 = arith.constant 1 : i32
          %parallel_loop3A_450 = arith.index_cast %parallel_loop3A_449 : i32 to index
          %parallel_loop3A_451 = arith.index_cast %parallel_loop3A_336 : i32 to index
          %parallel_loop3A_452 = arith.constant 96 : index
          %parallel_loop3A_453 = tpu.vector_load %arg8[%parallel_loop3A_450, %parallel_loop3A_451, %parallel_loop3A_452] {strides = array<i32>} : memref<2x80x128xf32, #tpu.memory_space<vmem>>, vector<16xf32>,
          %parallel_loop3A_454 = arith.mulf %parallel_loop3A_448, %parallel_loop3A_453 : vector<16xf32>
          %parallel_loop3A_455 = arith.constant 1 : i32
          %parallel_loop3A_456 = arith.index_cast %parallel_loop3A_455 : i32 to index
          %parallel_loop3A_457 = arith.index_cast %parallel_loop3A_336 : i32 to index
          %parallel_loop3A_458 = arith.constant 96 : index
          %parallel_loop3A_459 = tpu.vector_load %arg9[%parallel_loop3A_456, %parallel_loop3A_457, %parallel_loop3A_458] {strides = array<i32>} : memref<2x80x128xf32, #tpu.memory_space<vmem>>, vector<16xf32>,
          %parallel_loop3A_460 = arith.mulf %parallel_loop3A_454, %parallel_loop3A_459 : vector<16xf32>
          %parallel_loop3A_461 = arith.addf %parallel_loop3A_443, %parallel_loop3A_460 : vector<16xf32>
          %parallel_loop3A_462 = arith.constant 1 : i32
          %parallel_loop3A_463 = arith.index_cast %parallel_loop3A_462 : i32 to index
          %parallel_loop3A_464 = arith.index_cast %parallel_loop3A_336 : i32 to index
          %parallel_loop3A_465 = arith.constant 112 : index
          %parallel_loop3A_466 = tpu.vector_load %arg7[%parallel_loop3A_463, %parallel_loop3A_464, %parallel_loop3A_465] {strides = array<i32>} : memref<2x80x128xf32, #tpu.memory_space<vmem>>, vector<16xf32>,
          %parallel_loop3A_467 = arith.constant 1 : i32
          %parallel_loop3A_468 = arith.index_cast %parallel_loop3A_467 : i32 to index
          %parallel_loop3A_469 = arith.index_cast %parallel_loop3A_336 : i32 to index
          %parallel_loop3A_470 = arith.constant 112 : index
          %parallel_loop3A_471 = tpu.vector_load %arg8[%parallel_loop3A_468, %parallel_loop3A_469, %parallel_loop3A_470] {strides = array<i32>} : memref<2x80x128xf32, #tpu.memory_space<vmem>>, vector<16xf32>,
          %parallel_loop3A_472 = arith.mulf %parallel_loop3A_466, %parallel_loop3A_471 : vector<16xf32>
          %parallel_loop3A_473 = arith.constant 1 : i32
          %parallel_loop3A_474 = arith.index_cast %parallel_loop3A_473 : i32 to index
          %parallel_loop3A_475 = arith.index_cast %parallel_loop3A_336 : i32 to index
          %parallel_loop3A_476 = arith.constant 112 : index
          %parallel_loop3A_477 = tpu.vector_load %arg9[%parallel_loop3A_474, %parallel_loop3A_475, %parallel_loop3A_476] {strides = array<i32>} : memref<2x80x128xf32, #tpu.memory_space<vmem>>, vector<16xf32>,
          %parallel_loop3A_478 = arith.mulf %parallel_loop3A_472, %parallel_loop3A_477 : vector<16xf32>
          %parallel_loop3A_479 = arith.addf %parallel_loop3A_461, %parallel_loop3A_478 : vector<16xf32>
          %parallel_loop3A_480 = vector.broadcast %parallel_loop3A_335 : i32 to vector<16xi32>
          %parallel_loop3A_481 = arith.addi %mul3A_273, %parallel_loop3A_480 : vector<16xi32>
          tpu.vector_store_idx %arg12[%parallel_loop3A_481], %parallel_loop3A_479 : memref<256xf32, #tpu.memory_space<vmem>>[vector<16xi32>], vector<16xf32>,
        } {sc.loop_unroll_factor = 4 : i64, sc.parallel_access}
        %get3A = arith.constant 0 : index
        %get3A_285 = tpu.vector_load %arg12[%get3A] {strides = array<i32>} : memref<256xf32, #tpu.memory_space<vmem>>, vector<16xf32>,
        %get3A_286 = arith.constant 16 : index
        %get3A_287 = tpu.vector_load %arg12[%get3A_286] {strides = array<i32>} : memref<256xf32, #tpu.memory_space<vmem>>, vector<16xf32>,
        %add3A_288 = arith.addf %get3A_285, %get3A_287 : vector<16xf32>
        %get3A_289 = arith.constant 32 : index
        %get3A_290 = tpu.vector_load %arg12[%get3A_289] {strides = array<i32>} : memref<256xf32, #tpu.memory_space<vmem>>, vector<16xf32>,
        %add3A_291 = arith.addf %add3A_288, %get3A_290 : vector<16xf32>
        %get3A_292 = arith.constant 48 : index
        %get3A_293 = tpu.vector_load %arg12[%get3A_292] {strides = array<i32>} : memref<256xf32, #tpu.memory_space<vmem>>, vector<16xf32>,
        %add3A_294 = arith.addf %add3A_291, %get3A_293 : vector<16xf32>
        %get3A_295 = arith.constant 64 : index
        %get3A_296 = tpu.vector_load %arg12[%get3A_295] {strides = array<i32>} : memref<256xf32, #tpu.memory_space<vmem>>, vector<16xf32>,
        %add3A_297 = arith.addf %add3A_294, %get3A_296 : vector<16xf32>
        %get3A_298 = arith.constant 80 : index
        %get3A_299 = tpu.vector_load %arg12[%get3A_298] {strides = array<i32>} : memref<256xf32, #tpu.memory_space<vmem>>, vector<16xf32>,
        %add3A_300 = arith.addf %add3A_297, %get3A_299 : vector<16xf32>
        %get3A_301 = arith.constant 96 : index
        %get3A_302 = tpu.vector_load %arg12[%get3A_301] {strides = array<i32>} : memref<256xf32, #tpu.memory_space<vmem>>, vector<16xf32>,
        %add3A_303 = arith.addf %add3A_300, %get3A_302 : vector<16xf32>
        %get3A_304 = arith.constant 112 : index
        %get3A_305 = tpu.vector_load %arg12[%get3A_304] {strides = array<i32>} : memref<256xf32, #tpu.memory_space<vmem>>, vector<16xf32>,
        %add3A_306 = arith.addf %add3A_303, %get3A_305 : vector<16xf32>
        %get3A_307 = arith.constant 128 : index
        %get3A_308 = tpu.vector_load %arg12[%get3A_307] {strides = array<i32>} : memref<256xf32, #tpu.memory_space<vmem>>, vector<16xf32>,
        %add3A_309 = arith.addf %add3A_306, %get3A_308 : vector<16xf32>
        %get3A_310 = arith.constant 144 : index
        %get3A_311 = tpu.vector_load %arg12[%get3A_310] {strides = array<i32>} : memref<256xf32, #tpu.memory_space<vmem>>, vector<16xf32>,
        %add3A_312 = arith.addf %add3A_309, %get3A_311 : vector<16xf32>
        %get3A_313 = arith.constant 160 : index
        %get3A_314 = tpu.vector_load %arg12[%get3A_313] {strides = array<i32>} : memref<256xf32, #tpu.memory_space<vmem>>, vector<16xf32>,
        %add3A_315 = arith.addf %add3A_312, %get3A_314 : vector<16xf32>
        %get3A_316 = arith.constant 176 : index
        %get3A_317 = tpu.vector_load %arg12[%get3A_316] {strides = array<i32>} : memref<256xf32, #tpu.memory_space<vmem>>, vector<16xf32>,
        %add3A_318 = arith.addf %add3A_315, %get3A_317 : vector<16xf32>
        %get3A_319 = arith.constant 192 : index
        %get3A_320 = tpu.vector_load %arg12[%get3A_319] {strides = array<i32>} : memref<256xf32, #tpu.memory_space<vmem>>, vector<16xf32>,
        %add3A_321 = arith.addf %add3A_318, %get3A_320 : vector<16xf32>
        %get3A_322 = arith.constant 208 : index
        %get3A_323 = tpu.vector_load %arg12[%get3A_322] {strides = array<i32>} : memref<256xf32, #tpu.memory_space<vmem>>, vector<16xf32>,
        %add3A_324 = arith.addf %add3A_321, %get3A_323 : vector<16xf32>
        %get3A_325 = arith.constant 224 : index
        %get3A_326 = tpu.vector_load %arg12[%get3A_325] {strides = array<i32>} : memref<256xf32, #tpu.memory_space<vmem>>, vector<16xf32>,
        %add3A_327 = arith.addf %add3A_324, %get3A_326 : vector<16xf32>
        %get3A_328 = arith.constant 240 : index
        %get3A_329 = tpu.vector_load %arg12[%get3A_328] {strides = array<i32>} : memref<256xf32, #tpu.memory_space<vmem>>, vector<16xf32>,
        %add3A_330 = arith.addf %add3A_327, %get3A_329 : vector<16xf32>
        %mul3A_331 = arith.constant 80 : i32
        %mul3A_332 = arith.muli %add3A_270, %mul3A_331 : i32
        %add3A_333 = arith.addi %mul3A_332, %mul3A_282 : i32
        %swap3A = arith.index_cast %add3A_333 : i32 to index
        %swap3A_334 = tpu.vector_load %arg11[%swap3A] {strides = array<i32>} : memref<10000xf32, #tpu.memory_space<vmem>>, vector<16xf32>,
        tpu.vector_store %arg11[%swap3A], %add3A_330 {strides = array<i32>} : memref<10000xf32, #tpu.memory_space<vmem>>, vector<16xf32>,
      }
      %scan3A_279 = arith.constant 5 : i32
    }
    %scan3A_44 = arith.constant 62 : i32
    %add3A_45 = arith.constant 9920 : i32
    %add3A_46 = arith.addi %mul3A_2, %add3A_45 : i32
    %dma_wait3A = arith.constant 0 : i32
    %dma_wait3A_47 = arith.constant 0 : i32
    %dma_wait3A_48 = arith.constant 0 : i32
    %dma_wait3A_49 = tpu.memref_slice %arg9[%dma_wait3A, %dma_wait3A_47, %dma_wait3A_48] : memref<2x80x128xf32, #tpu.memory_space<vmem>> -> memref<1x80x128xf32, #tpu.memory_space<vmem>>
    %dma_wait3A_50 = tpu.memref_squeeze %dma_wait3A_49 : memref<1x80x128xf32, #tpu.memory_space<vmem>> -> memref<80x128xf32, #tpu.memory_space<vmem>>
    %dma_wait3A_51 = arith.constant 9920 : i32
    %dma_wait3A_52 = tpu.memref_slice %arg10[%dma_wait3A_51] : memref<10000xi32, #tpu.memory_space<vmem>> -> memref<80xi32, #tpu.memory_space<vmem>>
    %dma_wait3A_53 = arith.constant 0 : i32
    %dma_wait3A_54 = arith.constant 0 : i32
    %dma_wait3A_55 = tpu.memref_slice %arg5[%dma_wait3A_53, %dma_wait3A_54] : memref<1000x128xf32, #tpu.memory_space<hbm>> -> memref<1000x128xf32, #tpu.memory_space<hbm>>
    tpu.wait_indirect_dma semaphore(%arg13 : memref<!tpu.dma_semaphore, #tpu.memory_space<semaphore_mem>>) src(%dma_wait3A_55 : memref<1000x128xf32, #tpu.memory_space<hbm>>) dst(%dma_wait3A_50 : memref<80x128xf32, #tpu.memory_space<vmem>>)
    %dma_wait3A_56 = arith.constant 0 : i32
    %dma_wait3A_57 = arith.constant 0 : i32
    %dma_wait3A_58 = arith.constant 0 : i32
    %dma_wait3A_59 = tpu.memref_slice %arg7[%dma_wait3A_56, %dma_wait3A_57, %dma_wait3A_58] : memref<2x80x128xf32, #tpu.memory_space<vmem>> -> memref<1x80x128xf32, #tpu.memory_space<vmem>>
    %dma_wait3A_60 = tpu.memref_squeeze %dma_wait3A_59 : memref<1x80x128xf32, #tpu.memory_space<vmem>> -> memref<80x128xf32, #tpu.memory_space<vmem>>
    %dma_wait3A_61 = arith.constant 0 : i32
    %dma_wait3A_62 = tpu.memref_slice %arg2[%add3A_46, %dma_wait3A_61] : memref<320000x128xf32, #tpu.memory_space<hbm>> -> memref<80x128xf32, #tpu.memory_space<hbm>>
    %dma_wait3A_63 = arith.constant 0 : i32
    %dma_wait3A_64 = arith.constant 0 : i32
    %dma_wait3A_65 = tpu.memref_slice %arg7[%dma_wait3A_56, %dma_wait3A_63, %dma_wait3A_64] : memref<2x80x128xf32, #tpu.memory_space<vmem>> -> memref<1x80x128xf32, #tpu.memory_space<vmem>>
    %dma_wait3A_66 = tpu.memref_squeeze %dma_wait3A_65 : memref<1x80x128xf32, #tpu.memory_space<vmem>> -> memref<80x128xf32, #tpu.memory_space<vmem>>
    %dma_wait3A_67 = arith.constant 0 : i32
    %dma_wait3A_68 = tpu.memref_slice %arg2[%add3A_46, %dma_wait3A_67] : memref<320000x128xf32, #tpu.memory_space<hbm>> -> memref<80x128xf32, #tpu.memory_space<hbm>>
    tpu.wait_dma2 semaphore(%arg13 : memref<!tpu.dma_semaphore, #tpu.memory_space<semaphore_mem>>) src(%dma_wait3A_68 : memref<80x128xf32, #tpu.memory_space<hbm>>) dst(%dma_wait3A_66 : memref<80x128xf32, #tpu.memory_space<vmem>>)
    %dma_wait3A_69 = arith.constant 0 : i32
    %dma_wait3A_70 = arith.constant 0 : i32
    %dma_wait3A_71 = arith.constant 0 : i32
    %dma_wait3A_72 = tpu.memref_slice %arg8[%dma_wait3A_69, %dma_wait3A_70, %dma_wait3A_71] : memref<2x80x128xf32, #tpu.memory_space<vmem>> -> memref<1x80x128xf32, #tpu.memory_space<vmem>>
    %dma_wait3A_73 = tpu.memref_squeeze %dma_wait3A_72 : memref<1x80x128xf32, #tpu.memory_space<vmem>> -> memref<80x128xf32, #tpu.memory_space<vmem>>
    %dma_wait3A_74 = arith.constant 0 : i32
    %dma_wait3A_75 = tpu.memref_slice %arg3[%add3A_46, %dma_wait3A_74] : memref<320000x128xf32, #tpu.memory_space<hbm>> -> memref<80x128xf32, #tpu.memory_space<hbm>>
    %dma_wait3A_76 = arith.constant 0 : i32
    %dma_wait3A_77 = arith.constant 0 : i32
    %dma_wait3A_78 = tpu.memref_slice %arg8[%dma_wait3A_69, %dma_wait3A_76, %dma_wait3A_77] : memref<2x80x128xf32, #tpu.memory_space<vmem>> -> memref<1x80x128xf32, #tpu.memory_space<vmem>>
    %dma_wait3A_79 = tpu.memref_squeeze %dma_wait3A_78 : memref<1x80x128xf32, #tpu.memory_space<vmem>> -> memref<80x128xf32, #tpu.memory_space<vmem>>
    %dma_wait3A_80 = arith.constant 0 : i32
    %dma_wait3A_81 = tpu.memref_slice %arg3[%add3A_46, %dma_wait3A_80] : memref<320000x128xf32, #tpu.memory_space<hbm>> -> memref<80x128xf32, #tpu.memory_space<hbm>>
    tpu.wait_dma2 semaphore(%arg13 : memref<!tpu.dma_semaphore, #tpu.memory_space<semaphore_mem>>) src(%dma_wait3A_81 : memref<80x128xf32, #tpu.memory_space<hbm>>) dst(%dma_wait3A_79 : memref<80x128xf32, #tpu.memory_space<vmem>>)
    %mul3A_82 = arith.constant 16 : i32
    %mul3A_83 = vector.broadcast %mul3A_82 : i32 to vector<16xi32>
    %mul3A_84 = arith.muli %iota3A, %mul3A_83 : vector<16xi32>
    %scan3A_85 = arith.constant 0 : i32
    %scan3A_86 = arith.constant 0 : i32
    %scan3A_87 = arith.constant 5 : i32
    %scan3A_88 = arith.addi %scan3A_86, %scan3A_87 : i32
    %scan3A_89 = arith.constant 1 : i32
    scf.for %scan3A_91 = %scan3A_86 to %scan3A_88 step %scan3A_89  : i32 {
      %mul3A_92 = arith.constant 16 : i32
      %mul3A_93 = arith.muli %scan3A_91, %mul3A_92 : i32
      %parallel_loop3A = arith.constant 0 : i32
      %parallel_loop3A_94 = arith.constant 16 : i32
      %parallel_loop3A_95 = arith.constant 1 : i32
      scf.for %parallel_loop3A_145 = %parallel_loop3A to %parallel_loop3A_94 step %parallel_loop3A_95  : i32 {
        %parallel_loop3A_146 = arith.addi %mul3A_93, %parallel_loop3A_145 : i32
        %parallel_loop3A_147 = arith.constant 0 : i32
        %parallel_loop3A_148 = arith.index_cast %parallel_loop3A_147 : i32 to index
        %parallel_loop3A_149 = arith.index_cast %parallel_loop3A_146 : i32 to index
        %parallel_loop3A_150 = arith.constant 0 : index
        %parallel_loop3A_151 = tpu.vector_load %arg7[%parallel_loop3A_148, %parallel_loop3A_149, %parallel_loop3A_150] {strides = array<i32>} : memref<2x80x128xf32, #tpu.memory_space<vmem>>, vector<16xf32>,
        %parallel_loop3A_152 = arith.constant 0 : i32
        %parallel_loop3A_153 = arith.index_cast %parallel_loop3A_152 : i32 to index
        %parallel_loop3A_154 = arith.index_cast %parallel_loop3A_146 : i32 to index
        %parallel_loop3A_155 = arith.constant 0 : index
        %parallel_loop3A_156 = tpu.vector_load %arg8[%parallel_loop3A_153, %parallel_loop3A_154, %parallel_loop3A_155] {strides = array<i32>} : memref<2x80x128xf32, #tpu.memory_space<vmem>>, vector<16xf32>,
        %parallel_loop3A_157 = arith.mulf %parallel_loop3A_151, %parallel_loop3A_156 : vector<16xf32>
        %parallel_loop3A_158 = arith.constant 0 : i32
        %parallel_loop3A_159 = arith.index_cast %parallel_loop3A_158 : i32 to index
        %parallel_loop3A_160 = arith.index_cast %parallel_loop3A_146 : i32 to index
        %parallel_loop3A_161 = arith.constant 0 : index
        %parallel_loop3A_162 = tpu.vector_load %arg9[%parallel_loop3A_159, %parallel_loop3A_160, %parallel_loop3A_161] {strides = array<i32>} : memref<2x80x128xf32, #tpu.memory_space<vmem>>, vector<16xf32>,
        %parallel_loop3A_163 = arith.mulf %parallel_loop3A_157, %parallel_loop3A_162 : vector<16xf32>
        %parallel_loop3A_164 = arith.constant 0 : i32
        %parallel_loop3A_165 = arith.index_cast %parallel_loop3A_164 : i32 to index
        %parallel_loop3A_166 = arith.index_cast %parallel_loop3A_146 : i32 to index
        %parallel_loop3A_167 = arith.constant 16 : index
        %parallel_loop3A_168 = tpu.vector_load %arg7[%parallel_loop3A_165, %parallel_loop3A_166, %parallel_loop3A_167] {strides = array<i32>} : memref<2x80x128xf32, #tpu.memory_space<vmem>>, vector<16xf32>,
        %parallel_loop3A_169 = arith.constant 0 : i32
        %parallel_loop3A_170 = arith.index_cast %parallel_loop3A_169 : i32 to index
        %parallel_loop3A_171 = arith.index_cast %parallel_loop3A_146 : i32 to index
        %parallel_loop3A_172 = arith.constant 16 : index
        %parallel_loop3A_173 = tpu.vector_load %arg8[%parallel_loop3A_170, %parallel_loop3A_171, %parallel_loop3A_172] {strides = array<i32>} : memref<2x80x128xf32, #tpu.memory_space<vmem>>, vector<16xf32>,
        %parallel_loop3A_174 = arith.mulf %parallel_loop3A_168, %parallel_loop3A_173 : vector<16xf32>
        %parallel_loop3A_175 = arith.constant 0 : i32
        %parallel_loop3A_176 = arith.index_cast %parallel_loop3A_175 : i32 to index
        %parallel_loop3A_177 = arith.index_cast %parallel_loop3A_146 : i32 to index
        %parallel_loop3A_178 = arith.constant 16 : index
        %parallel_loop3A_179 = tpu.vector_load %arg9[%parallel_loop3A_176, %parallel_loop3A_177, %parallel_loop3A_178] {strides = array<i32>} : memref<2x80x128xf32, #tpu.memory_space<vmem>>, vector<16xf32>,
        %parallel_loop3A_180 = arith.mulf %parallel_loop3A_174, %parallel_loop3A_179 : vector<16xf32>
        %parallel_loop3A_181 = arith.addf %parallel_loop3A_163, %parallel_loop3A_180 : vector<16xf32>
        %parallel_loop3A_182 = arith.constant 0 : i32
        %parallel_loop3A_183 = arith.index_cast %parallel_loop3A_182 : i32 to index
        %parallel_loop3A_184 = arith.index_cast %parallel_loop3A_146 : i32 to index
        %parallel_loop3A_185 = arith.constant 32 : index
        %parallel_loop3A_186 = tpu.vector_load %arg7[%parallel_loop3A_183, %parallel_loop3A_184, %parallel_loop3A_185] {strides = array<i32>} : memref<2x80x128xf32, #tpu.memory_space<vmem>>, vector<16xf32>,
        %parallel_loop3A_187 = arith.constant 0 : i32
        %parallel_loop3A_188 = arith.index_cast %parallel_loop3A_187 : i32 to index
        %parallel_loop3A_189 = arith.index_cast %parallel_loop3A_146 : i32 to index
        %parallel_loop3A_190 = arith.constant 32 : index
        %parallel_loop3A_191 = tpu.vector_load %arg8[%parallel_loop3A_188, %parallel_loop3A_189, %parallel_loop3A_190] {strides = array<i32>} : memref<2x80x128xf32, #tpu.memory_space<vmem>>, vector<16xf32>,
        %parallel_loop3A_192 = arith.mulf %parallel_loop3A_186, %parallel_loop3A_191 : vector<16xf32>
        %parallel_loop3A_193 = arith.constant 0 : i32
        %parallel_loop3A_194 = arith.index_cast %parallel_loop3A_193 : i32 to index
        %parallel_loop3A_195 = arith.index_cast %parallel_loop3A_146 : i32 to index
        %parallel_loop3A_196 = arith.constant 32 : index
        %parallel_loop3A_197 = tpu.vector_load %arg9[%parallel_loop3A_194, %parallel_loop3A_195, %parallel_loop3A_196] {strides = array<i32>} : memref<2x80x128xf32, #tpu.memory_space<vmem>>, vector<16xf32>,
        %parallel_loop3A_198 = arith.mulf %parallel_loop3A_192, %parallel_loop3A_197 : vector<16xf32>
        %parallel_loop3A_199 = arith.addf %parallel_loop3A_181, %parallel_loop3A_198 : vector<16xf32>
        %parallel_loop3A_200 = arith.constant 0 : i32
        %parallel_loop3A_201 = arith.index_cast %parallel_loop3A_200 : i32 to index
        %parallel_loop3A_202 = arith.index_cast %parallel_loop3A_146 : i32 to index
        %parallel_loop3A_203 = arith.constant 48 : index
        %parallel_loop3A_204 = tpu.vector_load %arg7[%parallel_loop3A_201, %parallel_loop3A_202, %parallel_loop3A_203] {strides = array<i32>} : memref<2x80x128xf32, #tpu.memory_space<vmem>>, vector<16xf32>,
        %parallel_loop3A_205 = arith.constant 0 : i32
        %parallel_loop3A_206 = arith.index_cast %parallel_loop3A_205 : i32 to index
        %parallel_loop3A_207 = arith.index_cast %parallel_loop3A_146 : i32 to index
        %parallel_loop3A_208 = arith.constant 48 : index
        %parallel_loop3A_209 = tpu.vector_load %arg8[%parallel_loop3A_206, %parallel_loop3A_207, %parallel_loop3A_208] {strides = array<i32>} : memref<2x80x128xf32, #tpu.memory_space<vmem>>, vector<16xf32>,
        %parallel_loop3A_210 = arith.mulf %parallel_loop3A_204, %parallel_loop3A_209 : vector<16xf32>
        %parallel_loop3A_211 = arith.constant 0 : i32
        %parallel_loop3A_212 = arith.index_cast %parallel_loop3A_211 : i32 to index
        %parallel_loop3A_213 = arith.index_cast %parallel_loop3A_146 : i32 to index
        %parallel_loop3A_214 = arith.constant 48 : index
        %parallel_loop3A_215 = tpu.vector_load %arg9[%parallel_loop3A_212, %parallel_loop3A_213, %parallel_loop3A_214] {strides = array<i32>} : memref<2x80x128xf32, #tpu.memory_space<vmem>>, vector<16xf32>,
        %parallel_loop3A_216 = arith.mulf %parallel_loop3A_210, %parallel_loop3A_215 : vector<16xf32>
        %parallel_loop3A_217 = arith.addf %parallel_loop3A_199, %parallel_loop3A_216 : vector<16xf32>
        %parallel_loop3A_218 = arith.constant 0 : i32
        %parallel_loop3A_219 = arith.index_cast %parallel_loop3A_218 : i32 to index
        %parallel_loop3A_220 = arith.index_cast %parallel_loop3A_146 : i32 to index
        %parallel_loop3A_221 = arith.constant 64 : index
        %parallel_loop3A_222 = tpu.vector_load %arg7[%parallel_loop3A_219, %parallel_loop3A_220, %parallel_loop3A_221] {strides = array<i32>} : memref<2x80x128xf32, #tpu.memory_space<vmem>>, vector<16xf32>,
        %parallel_loop3A_223 = arith.constant 0 : i32
        %parallel_loop3A_224 = arith.index_cast %parallel_loop3A_223 : i32 to index
        %parallel_loop3A_225 = arith.index_cast %parallel_loop3A_146 : i32 to index
        %parallel_loop3A_226 = arith.constant 64 : index
        %parallel_loop3A_227 = tpu.vector_load %arg8[%parallel_loop3A_224, %parallel_loop3A_225, %parallel_loop3A_226] {strides = array<i32>} : memref<2x80x128xf32, #tpu.memory_space<vmem>>, vector<16xf32>,
        %parallel_loop3A_228 = arith.mulf %parallel_loop3A_222, %parallel_loop3A_227 : vector<16xf32>
        %parallel_loop3A_229 = arith.constant 0 : i32
        %parallel_loop3A_230 = arith.index_cast %parallel_loop3A_229 : i32 to index
        %parallel_loop3A_231 = arith.index_cast %parallel_loop3A_146 : i32 to index
        %parallel_loop3A_232 = arith.constant 64 : index
        %parallel_loop3A_233 = tpu.vector_load %arg9[%parallel_loop3A_230, %parallel_loop3A_231, %parallel_loop3A_232] {strides = array<i32>} : memref<2x80x128xf32, #tpu.memory_space<vmem>>, vector<16xf32>,
        %parallel_loop3A_234 = arith.mulf %parallel_loop3A_228, %parallel_loop3A_233 : vector<16xf32>
        %parallel_loop3A_235 = arith.addf %parallel_loop3A_217, %parallel_loop3A_234 : vector<16xf32>
        %parallel_loop3A_236 = arith.constant 0 : i32
        %parallel_loop3A_237 = arith.index_cast %parallel_loop3A_236 : i32 to index
        %parallel_loop3A_238 = arith.index_cast %parallel_loop3A_146 : i32 to index
        %parallel_loop3A_239 = arith.constant 80 : index
        %parallel_loop3A_240 = tpu.vector_load %arg7[%parallel_loop3A_237, %parallel_loop3A_238, %parallel_loop3A_239] {strides = array<i32>} : memref<2x80x128xf32, #tpu.memory_space<vmem>>, vector<16xf32>,
        %parallel_loop3A_241 = arith.constant 0 : i32
        %parallel_loop3A_242 = arith.index_cast %parallel_loop3A_241 : i32 to index
        %parallel_loop3A_243 = arith.index_cast %parallel_loop3A_146 : i32 to index
        %parallel_loop3A_244 = arith.constant 80 : index
        %parallel_loop3A_245 = tpu.vector_load %arg8[%parallel_loop3A_242, %parallel_loop3A_243, %parallel_loop3A_244] {strides = array<i32>} : memref<2x80x128xf32, #tpu.memory_space<vmem>>, vector<16xf32>,
        %parallel_loop3A_246 = arith.mulf %parallel_loop3A_240, %parallel_loop3A_245 : vector<16xf32>
        %parallel_loop3A_247 = arith.constant 0 : i32
        %parallel_loop3A_248 = arith.index_cast %parallel_loop3A_247 : i32 to index
        %parallel_loop3A_249 = arith.index_cast %parallel_loop3A_146 : i32 to index
        %parallel_loop3A_250 = arith.constant 80 : index
        %parallel_loop3A_251 = tpu.vector_load %arg9[%parallel_loop3A_248, %parallel_loop3A_249, %parallel_loop3A_250] {strides = array<i32>} : memref<2x80x128xf32, #tpu.memory_space<vmem>>, vector<16xf32>,
        %parallel_loop3A_252 = arith.mulf %parallel_loop3A_246, %parallel_loop3A_251 : vector<16xf32>
        %parallel_loop3A_253 = arith.addf %parallel_loop3A_235, %parallel_loop3A_252 : vector<16xf32>
        %parallel_loop3A_254 = arith.constant 0 : i32
        %parallel_loop3A_255 = arith.index_cast %parallel_loop3A_254 : i32 to index
        %parallel_loop3A_256 = arith.index_cast %parallel_loop3A_146 : i32 to index
        %parallel_loop3A_257 = arith.constant 96 : index
        %parallel_loop3A_258 = tpu.vector_load %arg7[%parallel_loop3A_255, %parallel_loop3A_256, %parallel_loop3A_257] {strides = array<i32>} : memref<2x80x128xf32, #tpu.memory_space<vmem>>, vector<16xf32>,
        %parallel_loop3A_259 = arith.constant 0 : i32
        %parallel_loop3A_260 = arith.index_cast %parallel_loop3A_259 : i32 to index
        %parallel_loop3A_261 = arith.index_cast %parallel_loop3A_146 : i32 to index
        %parallel_loop3A_262 = arith.constant 96 : index
        %parallel_loop3A_263 = tpu.vector_load %arg8[%parallel_loop3A_260, %parallel_loop3A_261, %parallel_loop3A_262] {strides = array<i32>} : memref<2x80x128xf32, #tpu.memory_space<vmem>>, vector<16xf32>,
        %parallel_loop3A_264 = arith.mulf %parallel_loop3A_258, %parallel_loop3A_263 : vector<16xf32>
        %parallel_loop3A_265 = arith.constant 0 : i32
        %parallel_loop3A_266 = arith.index_cast %parallel_loop3A_265 : i32 to index
        %parallel_loop3A_267 = arith.index_cast %parallel_loop3A_146 : i32 to index
        %parallel_loop3A_268 = arith.constant 96 : index
        %parallel_loop3A_269 = tpu.vector_load %arg9[%parallel_loop3A_266, %parallel_loop3A_267, %parallel_loop3A_268] {strides = array<i32>} : memref<2x80x128xf32, #tpu.memory_space<vmem>>, vector<16xf32>,
        %parallel_loop3A_270 = arith.mulf %parallel_loop3A_264, %parallel_loop3A_269 : vector<16xf32>
        %parallel_loop3A_271 = arith.addf %parallel_loop3A_253, %parallel_loop3A_270 : vector<16xf32>
        %parallel_loop3A_272 = arith.constant 0 : i32
        %parallel_loop3A_273 = arith.index_cast %parallel_loop3A_272 : i32 to index
        %parallel_loop3A_274 = arith.index_cast %parallel_loop3A_146 : i32 to index
        %parallel_loop3A_275 = arith.constant 112 : index
        %parallel_loop3A_276 = tpu.vector_load %arg7[%parallel_loop3A_273, %parallel_loop3A_274, %parallel_loop3A_275] {strides = array<i32>} : memref<2x80x128xf32, #tpu.memory_space<vmem>>, vector<16xf32>,
        %parallel_loop3A_277 = arith.constant 0 : i32
        %parallel_loop3A_278 = arith.index_cast %parallel_loop3A_277 : i32 to index
        %parallel_loop3A_279 = arith.index_cast %parallel_loop3A_146 : i32 to index
        %parallel_loop3A_280 = arith.constant 112 : index
        %parallel_loop3A_281 = tpu.vector_load %arg8[%parallel_loop3A_278, %parallel_loop3A_279, %parallel_loop3A_280] {strides = array<i32>} : memref<2x80x128xf32, #tpu.memory_space<vmem>>, vector<16xf32>,
        %parallel_loop3A_282 = arith.mulf %parallel_loop3A_276, %parallel_loop3A_281 : vector<16xf32>
        %parallel_loop3A_283 = arith.constant 0 : i32
        %parallel_loop3A_284 = arith.index_cast %parallel_loop3A_283 : i32 to index
        %parallel_loop3A_285 = arith.index_cast %parallel_loop3A_146 : i32 to index
        %parallel_loop3A_286 = arith.constant 112 : index
        %parallel_loop3A_287 = tpu.vector_load %arg9[%parallel_loop3A_284, %parallel_loop3A_285, %parallel_loop3A_286] {strides = array<i32>} : memref<2x80x128xf32, #tpu.memory_space<vmem>>, vector<16xf32>,
        %parallel_loop3A_288 = arith.mulf %parallel_loop3A_282, %parallel_loop3A_287 : vector<16xf32>
        %parallel_loop3A_289 = arith.addf %parallel_loop3A_271, %parallel_loop3A_288 : vector<16xf32>
        %parallel_loop3A_290 = vector.broadcast %parallel_loop3A_145 : i32 to vector<16xi32>
        %parallel_loop3A_291 = arith.addi %mul3A_84, %parallel_loop3A_290 : vector<16xi32>
        tpu.vector_store_idx %arg12[%parallel_loop3A_291], %parallel_loop3A_289 : memref<256xf32, #tpu.memory_space<vmem>>[vector<16xi32>], vector<16xf32>,
      } {sc.loop_unroll_factor = 4 : i64, sc.parallel_access}
      %get3A = arith.constant 0 : index
      %get3A_96 = tpu.vector_load %arg12[%get3A] {strides = array<i32>} : memref<256xf32, #tpu.memory_space<vmem>>, vector<16xf32>,
      %get3A_97 = arith.constant 16 : index
      %get3A_98 = tpu.vector_load %arg12[%get3A_97] {strides = array<i32>} : memref<256xf32, #tpu.memory_space<vmem>>, vector<16xf32>,
      %add3A_99 = arith.addf %get3A_96, %get3A_98 : vector<16xf32>
      %get3A_100 = arith.constant 32 : index
      %get3A_101 = tpu.vector_load %arg12[%get3A_100] {strides = array<i32>} : memref<256xf32, #tpu.memory_space<vmem>>, vector<16xf32>,
      %add3A_102 = arith.addf %add3A_99, %get3A_101 : vector<16xf32>
      %get3A_103 = arith.constant 48 : index
      %get3A_104 = tpu.vector_load %arg12[%get3A_103] {strides = array<i32>} : memref<256xf32, #tpu.memory_space<vmem>>, vector<16xf32>,
      %add3A_105 = arith.addf %add3A_102, %get3A_104 : vector<16xf32>
      %get3A_106 = arith.constant 64 : index
      %get3A_107 = tpu.vector_load %arg12[%get3A_106] {strides = array<i32>} : memref<256xf32, #tpu.memory_space<vmem>>, vector<16xf32>,
      %add3A_108 = arith.addf %add3A_105, %get3A_107 : vector<16xf32>
      %get3A_109 = arith.constant 80 : index
      %get3A_110 = tpu.vector_load %arg12[%get3A_109] {strides = array<i32>} : memref<256xf32, #tpu.memory_space<vmem>>, vector<16xf32>,
      %add3A_111 = arith.addf %add3A_108, %get3A_110 : vector<16xf32>
      %get3A_112 = arith.constant 96 : index
      %get3A_113 = tpu.vector_load %arg12[%get3A_112] {strides = array<i32>} : memref<256xf32, #tpu.memory_space<vmem>>, vector<16xf32>,
      %add3A_114 = arith.addf %add3A_111, %get3A_113 : vector<16xf32>
      %get3A_115 = arith.constant 112 : index
      %get3A_116 = tpu.vector_load %arg12[%get3A_115] {strides = array<i32>} : memref<256xf32, #tpu.memory_space<vmem>>, vector<16xf32>,
      %add3A_117 = arith.addf %add3A_114, %get3A_116 : vector<16xf32>
      %get3A_118 = arith.constant 128 : index
      %get3A_119 = tpu.vector_load %arg12[%get3A_118] {strides = array<i32>} : memref<256xf32, #tpu.memory_space<vmem>>, vector<16xf32>,
      %add3A_120 = arith.addf %add3A_117, %get3A_119 : vector<16xf32>
      %get3A_121 = arith.constant 144 : index
      %get3A_122 = tpu.vector_load %arg12[%get3A_121] {strides = array<i32>} : memref<256xf32, #tpu.memory_space<vmem>>, vector<16xf32>,
      %add3A_123 = arith.addf %add3A_120, %get3A_122 : vector<16xf32>
      %get3A_124 = arith.constant 160 : index
      %get3A_125 = tpu.vector_load %arg12[%get3A_124] {strides = array<i32>} : memref<256xf32, #tpu.memory_space<vmem>>, vector<16xf32>,
      %add3A_126 = arith.addf %add3A_123, %get3A_125 : vector<16xf32>
      %get3A_127 = arith.constant 176 : index
      %get3A_128 = tpu.vector_load %arg12[%get3A_127] {strides = array<i32>} : memref<256xf32, #tpu.memory_space<vmem>>, vector<16xf32>,
      %add3A_129 = arith.addf %add3A_126, %get3A_128 : vector<16xf32>
      %get3A_130 = arith.constant 192 : index
      %get3A_131 = tpu.vector_load %arg12[%get3A_130] {strides = array<i32>} : memref<256xf32, #tpu.memory_space<vmem>>, vector<16xf32>,
      %add3A_132 = arith.addf %add3A_129, %get3A_131 : vector<16xf32>
      %get3A_133 = arith.constant 208 : index
      %get3A_134 = tpu.vector_load %arg12[%get3A_133] {strides = array<i32>} : memref<256xf32, #tpu.memory_space<vmem>>, vector<16xf32>,
      %add3A_135 = arith.addf %add3A_132, %get3A_134 : vector<16xf32>
      %get3A_136 = arith.constant 224 : index
      %get3A_137 = tpu.vector_load %arg12[%get3A_136] {strides = array<i32>} : memref<256xf32, #tpu.memory_space<vmem>>, vector<16xf32>,
      %add3A_138 = arith.addf %add3A_135, %get3A_137 : vector<16xf32>
      %get3A_139 = arith.constant 240 : index
      %get3A_140 = tpu.vector_load %arg12[%get3A_139] {strides = array<i32>} : memref<256xf32, #tpu.memory_space<vmem>>, vector<16xf32>,
      %add3A_141 = arith.addf %add3A_138, %get3A_140 : vector<16xf32>
      %add3A_142 = arith.constant 9920 : i32
      %add3A_143 = arith.addi %add3A_142, %mul3A_93 : i32
      %swap3A = arith.index_cast %add3A_143 : i32 to index
      %swap3A_144 = tpu.vector_load %arg11[%swap3A] {strides = array<i32>} : memref<10000xf32, #tpu.memory_space<vmem>>, vector<16xf32>,
      tpu.vector_store %arg11[%swap3A], %add3A_141 {strides = array<i32>} : memref<10000xf32, #tpu.memory_space<vmem>>, vector<16xf32>,
    }
    %scan3A_90 = arith.constant 5 : i32
    "tpu.region"() ({
      %run_scoped3A = tpu.sem_alloc : memref<!tpu.dma_semaphore, #tpu.memory_space<semaphore_mem>>
      %dma_start3A_91 = tpu.memref_slice %arg6[%mul3A_2] : memref<320000xf32, #tpu.memory_space<hbm>> -> memref<10000xf32, #tpu.memory_space<hbm>>
      %dma_start3A_92 = tpu.memref_slice %arg6[%mul3A_2] : memref<320000xf32, #tpu.memory_space<hbm>> -> memref<10000xf32, #tpu.memory_space<hbm>>
      tpu.enqueue_dma source(%arg11 : memref<10000xf32, #tpu.memory_space<vmem>>) target(%dma_start3A_92 : memref<10000xf32, #tpu.memory_space<hbm>>) target_semaphore(%run_scoped3A : memref<!tpu.dma_semaphore, #tpu.memory_space<semaphore_mem>>)
      %dma_wait3A_93 = tpu.memref_slice %arg6[%mul3A_2] : memref<320000xf32, #tpu.memory_space<hbm>> -> memref<10000xf32, #tpu.memory_space<hbm>>
      %dma_wait3A_94 = tpu.memref_slice %arg6[%mul3A_2] : memref<320000xf32, #tpu.memory_space<hbm>> -> memref<10000xf32, #tpu.memory_space<hbm>>
      tpu.wait_dma2 semaphore(%run_scoped3A : memref<!tpu.dma_semaphore, #tpu.memory_space<semaphore_mem>>) src(%arg11 : memref<10000xf32, #tpu.memory_space<vmem>>) dst(%dma_wait3A_94 : memref<10000xf32, #tpu.memory_space<hbm>>)
      tpu.yield
    }) : () -> ()
    return
  }
}

</mosaic_0001>

<sc_bundles>
// kernel: kernel.3.cloned.1.call-start
scs
__scs_entry_jumppad:
0x0: {  	(pc) =	sbr.rel $0x88, $3  }
0x1: {  	(tag) =	ssettag $0x0;
	lr =	simm.s32 $0x1  }
0x2: {  	[smem:$0x3F9D] =	sst lr;
	_ =	strace $0xD0000000  }
0x3: {  	_ = 	snop  }
0x4: {  	_ = 	snop  }
0x5: {  	_ = 	snop  }
0x6: {  	_ = 	snop  }
0x7: {  	_ = 	snop  }
__scs_overlays_trampoline_lowered:
0x8: {  	[smem:$0x3FAC] =	sst s0  }
0x9: {  	[smem:$0x3FAD] =	sst s1  }
0xa: {  	[smem:$0x3FAE] =	sst s2  }
0xb: {  	[smem:$0x3FAF] =	sst s3  }
0xc: {  	[smem:$0x3FB0] =	sst s4  }
0xd: {  	[smem:$0x3FB1] =	sst s5  }
0xe: {  	[smem:$0x3FB2] =	sst s6  }
0xf: {  	[smem:$0x3FB3] =	sst s7  }
0x10: {  	[smem:$0x3FB4] =	sst s8  }
0x11: {  	[smem:$0x3FB5] =	sst s9;
	s0 =	simm.s32 @!p0 $0x0  }
0x12: {  	s1 =	sld [smem:$0x3F9B];
	s0 =	simm.s32 @p0 $0x1  }
0x13: {  	[smem:$0x3FB6] =	sst s0;
	s0 =	simm.s32 @!p1 $0x0  }
0x14: {  	s2 =	sld [smem:$0x3F9A];
	s0 =	simm.s32 @p1 $0x1  }
0x15: {  	[smem:$0x3FB7] =	sst s0;
	s0 =	simm.s32 @!p2 $0x0  }
0x16: {  	s3 =	sld [smem:$0x3FDB];
	s0 =	simm.s32 @p2 $0x1  }
0x17: {  	s4 =	simm.s32 $0x1BF5;
	[smem:$0x3FB9] =	sst s0  }
0x18: {  	s0 =	sld [smem:$0x3F9C];
	_ =	swait.ge [sflag:s4], $0x0  }
0x19: {  	s7 =	sld [smem:$0x3F9D]  }
0x1a: {  	s8 =	sadd.s32 $0xFFFFE003, lr  }
0x1b: {  	s9 =	sadd.s32 $0xFFFFFEF7, lr;
	s5 =	simm.s32 $0xFFFFFFFF;
	p2 =	slt.u32 s8, $0xFFFFF086  }
0x1c: {  	p1 =	slt.u32 s9, $0xF7A;
	s5 =	simm.s32 @!p2 $0x0  }
0x1d: {  	s5 =	simm.s32 @p1 $0x1;
	p0 =	seq.s32 s7, s2  }
0x1e: {  	s7 =	smul.u32 @!p0 $0xF7A, s2;
	p2 =	seq.s32 @!p0 s5, $0x0  }
0x1f: {  	s9 =	smul.u32 $0xF7A, s1;
	s8 =	simm.s32 @!p0 $0x1BF5;
	p2 =	por !p2, p0  }
0x20: {  	[sflag:s8] =	ssyncset.s32 @!p0 $0xFFFFF086;
	s6 =	sadd.s32 @!p0 s3, s7;
	s7 =	simm.s32 @!p0 $0x108  }
0x21: {  	s3 =	sadd.s32 s3, s9;
	s6 =	sadd.s32 @!p0 $0x88, s6;
	s7 =	simm.s32 @p2 $0x1082  }
0x22: {  	[simem:s7], [sflag:s8] =	dma.local @!p0 [hbm:s6], $0xF7A  }
0x23: {  	s9 =	sor.u32 $0xD0000000, s2;
	s6 =	simm.s32 $0x108;
	_ =	swait.ge @!p0 [sflag:s8], $0x0  }
0x24: {  	s3 =	sadd.s32 $0x88, s3;
	s6 =	simm.s32 @!p1 $0x1082;
	[sflag:s4] =	ssyncset.s32 $0xFFFFF086  }
0x25: {  	[simem:s6], [sflag:s4] =	dma.local [hbm:s3], $0xF7A  }
0x26: {  	[smem:$0x3F9D] =	sst s1;
	(tag) =	ssettag s2;
	_ =	strace s9  }
0x27: {  	s1 =	sld [smem:$0x3FAD]  }
0x28: {  	s2 =	sld [smem:$0x3FAE]  }
0x29: {  	s4 =	sld [smem:$0x3FB0]  }
0x2a: {  	p0 =	seq.s32 s5, $0x0;
	s5 =	sld [smem:$0x3FB1]  }
0x2b: {  	s6 =	sld [smem:$0x3FB2]  }
0x2c: {  	s7 =	sld [smem:$0x3FB3]  }
0x2d: {  	s3 =	simm.s32 $0x108;
	s8 =	sld [smem:$0x3FB4]  }
0x2e: {  	s3 =	simm.s32 @!p0 $0x1082;
	s9 =	sld [smem:$0x3FB5]  }
0x2f: {  	lr =	sadd.s32 s0, s3;
	s0 =	sld [smem:$0x3FAC]  }
0x30: {  	s3 =	sld [smem:$0x3FAF]  }
0x31: {  	[smem:$0x3FB8] =	sst s10  }
0x32: {  	s10 =	sld [smem:$0x3FB6];
	_ =	sdelay $0x3  }
0x33: {  	p0 =	seq.s32 s10, $0x1;
	s10 =	sld [smem:$0x3FB8];
	_ =	sdelay $0x3  }
0x34: {  	[smem:$0x3FB8] =	sst s10  }
0x35: {  	s10 =	sld [smem:$0x3FB7];
	_ =	sdelay $0x3  }
0x36: {  	p1 =	seq.s32 s10, $0x1;
	s10 =	sld [smem:$0x3FB8];
	_ =	sdelay $0x3  }
0x37: {  	[smem:$0x3FB8] =	sst s10  }
0x38: {  	s10 =	sld [smem:$0x3FB9]  }
0x39: {  	_ = 	snop;
	(pc) =	sbr.ind lr, $3  }
0x3a: {  	_ = 	snop  }
0x3b: {  	_ = 	snop  }
0x3c: {  	p2 =	seq.s32 s10, $0x1;
	s10 =	sld [smem:$0x3FB8]  }
0x3d: {  	_ =	shalt  }
0x3e: {  	_ =	shalt  }
0x3f: {  	_ =	shalt  }
0x40: {  	_ =	shalt  }
0x41: {  	_ =	shalt  }
0x42: {  	_ =	shalt  }
0x43: {  	_ =	shalt  }
0x44: {  	_ =	shalt  }
0x45: {  	_ =	shalt  }
0x46: {  	_ =	shalt  }
0x47: {  	_ =	shalt  }
0x48: {  	_ =	shalt  }
0x49: {  	_ =	shalt  }
0x4a: {  	_ =	shalt  }
0x4b: {  	_ =	shalt  }
0x4c: {  	_ =	shalt  }
0x4d: {  	_ =	shalt  }
0x4e: {  	_ =	shalt  }
0x4f: {  	_ =	shalt  }
0x50: {  	_ =	shalt  }
0x51: {  	_ =	shalt  }
0x52: {  	_ =	shalt  }
0x53: {  	_ =	shalt  }
0x54: {  	_ =	shalt  }
0x55: {  	_ =	shalt  }
0x56: {  	_ =	shalt  }
0x57: {  	_ =	shalt  }
0x58: {  	_ =	shalt  }
0x59: {  	_ =	shalt  }
0x5a: {  	_ =	shalt  }
0x5b: {  	_ =	shalt  }
0x5c: {  	_ =	shalt  }
0x5d: {  	_ =	shalt  }
0x5e: {  	_ =	shalt  }
0x5f: {  	_ =	shalt  }
0x60: {  	_ =	shalt  }
0x61: {  	_ =	shalt  }
0x62: {  	_ =	shalt  }
0x63: {  	_ =	shalt  }
0x64: {  	_ =	shalt  }
0x65: {  	_ =	shalt  }
0x66: {  	_ =	shalt  }
0x67: {  	_ =	shalt  }
0x68: {  	_ =	shalt  }
0x69: {  	_ =	shalt  }
0x6a: {  	_ =	shalt  }
0x6b: {  	_ =	shalt  }
0x6c: {  	_ =	shalt  }
0x6d: {  	_ =	shalt  }
0x6e: {  	_ =	shalt  }
0x6f: {  	_ =	shalt  }
0x70: {  	_ =	shalt  }
0x71: {  	_ =	shalt  }
0x72: {  	_ =	shalt  }
0x73: {  	_ =	shalt  }
0x74: {  	_ =	shalt  }
0x75: {  	_ =	shalt  }
0x76: {  	_ =	shalt  }
0x77: {  	_ =	shalt  }
0x78: {  	_ =	shalt  }
0x79: {  	_ =	shalt  }
0x7a: {  	_ =	shalt  }
0x7b: {  	_ =	shalt  }
0x7c: {  	_ =	shalt  }
0x7d: {  	_ =	shalt  }
0x7e: {  	_ =	shalt  }
0x7f: {  	_ =	shalt  }
0x80: {  	_ =	shalt  }
0x81: {  	_ =	shalt  }
0x82: {  	_ =	shalt  }
0x83: {  	_ =	shalt  }
0x84: {  	_ =	shalt  }
0x85: {  	_ =	shalt  }
0x86: {  	_ =	shalt  }
0x87: {  	_ =	shalt  }
.Lfunc_end0:
.L_simem_size_0:
called_computation_lowered:
.L_overlay_start_0:
0x88: {  	s2 =	sld [smem:$0x3FD9]  }
0x89: {  	s3 =	sld [smem:$0x3FFE];
	_ =	sdelay $0x1  }
0x8a: {  	s1 =	srdreg.scid  }
0x8b: {  	s0 =	sand.u32 $0x1, s1  }
0x8c: {  	s18 =	sshll.u32 s0, $0xA;
	s2 =	sadd.s32 s3, s2  }
0x8d: {  	s2 =	sadd.s32 s2, s18  }
0x8e: {  	[smem:$0x3FC4] =	sst s2  }
0x8f: {  	_ = 	snop  }
0x90: {  	s2 =	sld [smem:$0x3FC9]  }
0x91: {  	s19 =	sld [smem:$0x3FC8]  }
0x92: {  	s4 =	sld [smem:$0x3FC7]  }
0x93: {  	s5 =	sld [smem:$0x3FC6]  }
0x94: {  	s6 =	sld [smem:$0x3FD0];
	(tm) =	ssettm $0x1  }
0x95: {  	s7 =	sld [smem:$0x3FFB];
	_ =	sdelay $0x3  }
0x96: {  	_ =	strace s7  }
0x97: {  	s7 =	sld [smem:$0x3FFC];
	_ =	sdelay $0x3  }
0x98: {  	_ =	strace s7  }
0x99: {  	s7 =	sld [smem:$0x3FFD];
	_ =	sdelay $0x3  }
0x9a: {  	_ =	strace s7  }
0x9b: {  	_ =	strace $0x8FFFFFFF  }
0x9c: {  	s20 =	sld [smem:$0x3FDB];
	_ =	sdelay $0x1  }
0x9d: {  	s8 =	simm.s32 $_scs_section_size  }
0x9e: {  	s9 =	simm.s32 $_size__tile_overlayer_lowered;
	s10 =	simm.s32 $_tile_overlayer_lowered  }
0x9f: {  	s23 =	simm.s32 $0x1BFF;
	s22 =	sshll.u32 s10, $0x1;
	s7 =	sadd.s32 s8, s20  }
0xa0: {  	s11 =	simm.s32 $0x0;
	s21 =	sshll.u32 s9, $0x1;
	s9 =	sadd.s32 s22, s7  }
0xa1: {  	[timem:s11], [sflag:s23] =	dma.local [hbm:s9], s21  }
0xa2: {  	_ =	swait.ge [sflag:s23], s21  }
0xa3: {  	s8 =	ssub.s32 $0x0, s21;
	[sflag:s23] =	ssyncset.done $0x0  }
0xa4: {  	[sflag:s23] =	ssyncadd.s32 s8;
	_ =	sdelay $0x1  }
0xa5: {  	s24 =	simm.s32 $0x1B8B  }
0xa6: {  	_ =	swait.ge [sflag:s24], $0x1  }
0xa7: {  	[sflag:s24] =	ssyncset.done $0x0  }
0xa8: {  	s25 =	simm.s32 $0x1B8E;
	[sflag:s24] =	ssyncadd.s32 $0xFFFFFFFF  }
0xa9: {  	s26 =	simm.s32 $execute0_lowered;
	[smem:$0x3FD2] =	sst s25  }
0xaa: {  	s8 =	sshll.u32 s26, $0x1;
	_ =	strace $0x80000046;
	[dreg:$0x1] =	wrdreg $0xFFFFFFFF  }
0xab: {  	s28 =	simm.s32 $_size_execute0_lowered;
	s7 =	sadd.s32 s7, s8;
	[dreg:$0x0] =	wrdreg $0x0  }
0xac: {  	s8 =	sshll.u32 s28, $0x1;
	[dreg:$0x2] =	wrdreg s7  }
0xad: {  	[dreg:$0x3] =	wrdreg s8  }
0xae: {  	[dreg:$0x4] =	wrdreg $0xC0  }
0xaf: {  	_ =	task [dreg:s11], $0x5FFFF  }
0xb0: {  	[dreg:$0x1] =	wrdreg $0xFFFFFFFF  }
0xb1: {  	[dreg:$0x0] =	wrdreg $0x60  }
0xb2: {  	[dreg:$0x2] =	wrdreg s2  }
0xb3: {  	[dreg:$0x3] =	wrdreg s19  }
0xb4: {  	[dreg:$0x4] =	wrdreg s4  }
0xb5: {  	[dreg:$0x5] =	wrdreg s5  }
0xb6: {  	[dreg:$0x6] =	wrdreg s6  }
0xb7: {  	[dreg:$0x7] =	wrdreg $0x9  }
0xb8: {  	_ =	task.clear_ibuf [dreg:s11], $0x8FFFF;
	_ =	strace $0x90000046  }
0xb9: {  	s29 =	simm.s32 $0x9;
	_ =	strace $0x80000048  }
0xba: {  	_ =	swait.ge [sflag:s29], $0x1  }
0xbb: {  	[sflag:s29] =	ssyncadd.s32 $0xFFFFFFFF  }
0xbc: {  	_ =	strace $0x90000048  }
0xbd: {  	_ =	sfence  }
0xbe: {  	s30 =	sld [smem:$0x0];
	_ =	sdelay $0x2  }
0xbf: {  	s31 =	sshll.u32 s1, $0xD;
	s1 =	sshrl.u32 s1, $0x2  }
0xc0: {  	s3 =	sand.u32 $0x4000, s31;
	s1 =	sadd.s32 s1, s30  }
0xc1: {  	s0 =	sor.u32 s3, s0;
	s1 =	sshll.u32 s1, $0x11  }
0xc2: {  	s0 =	sor.u32 s1, s0  }
0xc3: {  	s0 =	sadd.s32 $0x8F2B, s0  }
0xc4: {  	[sflag:s0] =	ssyncadd.remote.s32 $0x1  }
0xc5: {  	_ =	sfence.sel $0xFFFF  }
0xc6: {  	[dreg:$0x0] =	wrdreg $0xFFFFFFFF;
	(pc) =	sbr.abs _section_cstart, $3  }
0xc7: {  	[dreg:$0x1] =	wrdreg $0xFFFFFFFF  }
0xc8: {  	_ =	task.clear_ibuf [dreg:s11], $0x2FFFF;
	_ =	strace $0x9FFFFFFF  }
0xc9: {  	(tm) =	ssettm $0x7FFFFFFF  }
tec
execute0_lowered:
.L_overlay_start_1:
0x0: {  	(tag) =	ssettag $0x1  }
0x1: {  	s0 =	rddreg [dreg:$0x0]  }
0x2: {  	s2 =	rddreg [dreg:$0x1]  }
0x3: {  	s1 =	rddreg [dreg:$0x2]  }
0x4: {  	s4 =	rddreg [dreg:$0x3]  }
0x5: {  	s3 =	srdreg.scid;
	s5 =	stileid.u32  }
0x6: {  	s7 =	rddreg [dreg:$0x4];
	s13 =	simm.s32 $0x3;
	s14 =	simm.s32 $0x50  }
0x7: {  	s15 =	simm.s32 $0xA000;
	s3 =	sand.u32 $0x1, s3;
	s5 =	sshll.u32 s5, $0x1  }
0x8: {  	s16 =	simm.s32 $0x5000;
	s17 =	simm.s32 $0xC800;
	s8 =	sor.u32 s3, s5  }
0x9: {  	s18 =	simm.s32 $0x2800;
	s19 =	simm.s32 $0x7800;
	s6 =	smul.u32 $0x2710, s8  }
0xa: {  	s20 =	simm.s32 $0x1;
	s5 =	simm.s32 $0x0;
	s8 =	smul.u32 $0x27100, s8  }
0xb: {  	s21 =	simm.s32 $0x13F00;
	s22 =	simm.s32 $0x2;
	[smem:$0x7FF] =	sst s5  }
0xc: {  	s3 =	ssub.s32 $0x2, s3;
	_ =	strace $0x80000047;
	s29 =	sadd.s32 s0, s8  }
0xd: {  	s28 =	sshrl.u32 s6, $0x3;
	s30 =	sadd.s32 s2, s8;
	[dreg:$0x7] =	wrdreg s29  }
0xe: {  	s9 =	sshrl.u32 s3, $0x1;
	s1 =	sadd.s32 s1, s28;
	[dreg:$0x8] =	wrdreg s30  }
0xf: {  	v0 =	vlaneseq.u32;
	s3 =	ssub.s32 s3, s9;
	s31 =	sadd.s32 s7, s28;
	[dreg:$0x6] =	wrdreg s1  }
0x10: {  	s24 =	simm.s32 $0x0;
	v0 =	vmul.u32 $0x10, v0;
	s11 =	smax.u32 s3, $0x1;
	[dreg:$0x9] =	wrdreg s31  }
.LBB2_1:
0x11: {  	s1 =	rddreg [dreg:$0x6];
	s3 =	simm.s32 $0xF000  }
0x12: {  	[tilespmem:s3], [sflag:$0x3] =	stream.linear.gather [hbm4b:s1+s5], $0x2710, $0x38;
	[tilespmem:$0x14000] =	vst v63  }
0x13: {  	_ =	swait.ge [sflag:s13], $0x2710  }
0x14: {  	[sflag:s13] =	ssyncset.done $0x0  }
0x15: {  	[sflag:s13] =	ssyncadd.s32 $0xFFFFD8F0  }
0x16: {  	[tilespmem:s15], [sflag:$0x1] =	stream.indirect.gather [hbm4b:s4+s14], $0x80, s3, s14, $0xb8;
	[tilespmem:$0x14000] =	vst v63  }
0x17: {  	s30 =	rddreg [dreg:$0x7]  }
0x18: {  	[tilespmem:s5], [sflag:$0x1] =	stream.linear.gather [hbm4b:s30+s5], $0x2800, $0x38;
	[tilespmem:$0x14000] =	vst v63  }
0x19: {  	s25 =	simm.s32 $0x0;
	s31 =	rddreg [dreg:$0x8]  }
0x1a: {  	[tilespmem:s16], [sflag:$0x1] =	stream.linear.gather [hbm4b:s31+s5], $0x2800, $0x38;
	[tilespmem:$0x14000] =	vst v63  }
.LBB2_2:
0x1b: {  	s28 =	smul.u32 $0xA0, s25;
	_ =	sdelay $0x1  }
0x1c: {  	s26 =	sadd.s32 $0x50, s28;
	s1 =	sadd.s32 $0xF050, s28  }
0x1d: {  	[tilespmem:s17], [sflag:$0x2] =	stream.indirect.gather [hbm4b:s4+s14], $0x80, s1, s14, $0xb8;
	[tilespmem:$0x14000] =	vst v63  }
0x1e: {  	s30 =	sadd.s32 s6, s26  }
0x1f: {  	s1 =	sshll.u32 s30, $0x4  }
0x20: {  	s29 =	simm.s32 $0x0;
	s3 =	sadd.s32 s0, s1  }
0x21: {  	[tilespmem:s18], [sflag:$0x2] =	stream.linear.gather [hbm4b:s3+s29], $0x2800, $0x38;
	[tilespmem:$0x14000] =	vst v63  }
0x22: {  	s1 =	sadd.s32 s2, s1  }
0x23: {  	[tilespmem:s19], [sflag:$0x2] =	stream.linear.gather [hbm4b:s1+s29], $0x2800, $0x38;
	[tilespmem:$0x14000] =	vst v63  }
0x24: {  	_ =	swait.ge [sflag:s20], $0x2800  }
0x25: {  	[sflag:s20] =	ssyncset.done $0x0  }
0x26: {  	[sflag:s20] =	ssyncadd.s32 $0xFFFFD800  }
0x27: {  	s31 =	smul.u32 $0x280, s25;
	_ =	swait.ge [sflag:s20], $0x2800  }
0x28: {  	[sflag:s20] =	ssyncset.done $0x0  }
0x29: {  	s1 =	sshra.s32 s31, $0x2;
	[sflag:s20] =	ssyncadd.s32 $0xFFFFD800  }
0x2a: {  	s1 =	sadd.s32 $0x11780, s1;
	_ =	swait.ge [sflag:s20], $0x2800  }
0x2b: {  	s7 =	simm.s32 $0x5100;
	v1 =	vmov s1;
	[sflag:s20] =	ssyncset.done $0x0  }
0x2c: {  	s12 =	simm.s32 $0xA100;
	s8 =	simm.s32 $0x100;
	[tilespmem:$0x1FFF0] =	vst v1;
	[sflag:s20] =	ssyncadd.s32 $0xFFFFD800  }
.LBB2_3:
0x2d: {  	v2 =	vld [tilespmem:s12+$0xE0]  }
0x2e: {  	v3 =	vld [tilespmem:s12+$0xD0]  }
0x2f: {  	v4 =	vld [tilespmem:s12+$0xC0]  }
0x30: {  	v5 =	vld [tilespmem:s12+$0xB0]  }
0x31: {  	v6 =	vld [tilespmem:s12+$0xA0]  }
0x32: {  	v7 =	vld [tilespmem:s12+$0x80]  }
0x33: {  	v8 =	vld [tilespmem:s8+$0xA0]  }
0x34: {  	v9 =	vld [tilespmem:s8+$0x80]  }
0x35: {  	v10 =	vld [tilespmem:s7+$0x80]  }
0x36: {  	v11 =	vld [tilespmem:s8+$0x90];
	s1 =	sshll.u32 s29, $0x4;
	s9 =	simm.s32 $0x4;
	s30 =	smov.u32 s7  }
0x37: {  	v12 =	vld [tilespmem:s7+$0x90];
	s31 =	smov.u32 s12;
	s3 =	smov.u32 s8;
	s23 =	simm.s32 $0x0  }
.LBB2_4:
0x38: {  	p0 =	slt.u32 s9, $0xC;
	v13 =	vld [tilespmem:s30+$0xA0]  }
0x39: {  	v14 =	vld [tilespmem:s31+$0x90]  }
0x3a: {  	v15 =	vld [tilespmem:s3+$0xB0]  }
0x3b: {  	v16 =	vld [tilespmem:s30+$0xB0]  }
0x3c: {  	v9 =	vmul.f32 v10, v9;
	v10 =	vmul.f32 v12, v11;
	v11 =	vld [tilespmem:s3+$0xC0]  }
0x3d: {  	v8 =	vmul.f32 v13, v8;
	v12 =	vld [tilespmem:s30+$0xC0]  }
0x3e: {  	v7 =	vmul.f32 v7, v9;
	v9 =	vmul.f32 v14, v10;
	v10 =	vld [tilespmem:s3+$0xD0]  }
0x3f: {  	v13 =	vld [tilespmem:s30+$0xD0]  }
0x40: {  	v6 =	vmul.f32 v6, v8;
	v7 =	vadd.f32 v9, v7;
	v8 =	vmul.f32 v16, v15;
	v9 =	vld [tilespmem:s3+$0xE0]  }
0x41: {  	v14 =	vld [tilespmem:s30+$0xE0]  }
0x42: {  	v6 =	vadd.f32 v6, v7;
	v5 =	vmul.f32 v5, v8;
	v7 =	vmul.f32 v12, v11;
	v8 =	vld [tilespmem:s3+$0xF0]  }
0x43: {  	v11 =	vld [tilespmem:s30+$0xF0]  }
0x44: {  	v12 =	vld [tilespmem:s30+$0xFFFFFF00];
	v5 =	vadd.f32 v5, v6;
	v4 =	vmul.f32 v4, v7;
	v6 =	vmul.f32 v13, v10  }
0x45: {  	v7 =	vld [tilespmem:s31+$0xF0]  }
0x46: {  	v10 =	vld [tilespmem:s3+$0xFFFFFF10];
	v4 =	vadd.f32 v4, v5;
	v3 =	vmul.f32 v3, v6;
	v5 =	vmul.f32 v14, v9  }
0x47: {  	v6 =	vld [tilespmem:s30+$0xFFFFFF10]  }
0x48: {  	s10 =	sadd.s32 $0x3, s23;
	v9 =	vld [tilespmem:s3+$0xFFFFFF80];
	v3 =	vadd.f32 v3, v4;
	v2 =	vmul.f32 v2, v5;
	v4 =	vmul.f32 v11, v8  }
0x49: {  	v8 =	vor.u32 s10, v0;
	v5 =	vld [tilespmem:s30+$0xFFFFFF80]  }
0x4a: {  	v11 =	vld [tilespmem:s3+$0xFFFFFF90];
	v2 =	vadd.f32 v2, v3;
	v3 =	vmul.f32 v7, v4  }
0x4b: {  	v4 =	vld [tilespmem:s30+$0xFFFFFF90]  }
0x4c: {  	v6 =	vmul.f32 v6, v10;
	v7 =	vld [tilespmem:s3+$0x0];
	v2 =	vadd.f32 v3, v2  }
0x4d: {  	v3 =	vld [tilespmem:s30+$0x0]  }
0x4e: {  	v5 =	vmul.f32 v5, v9;
	v9 =	vld [tilespmem:s3+$0x10];
	[tilespmem:v8+s21+$0x0] =	vst.idx.msk $0xffff, v2  }
0x4f: {  	v2 =	vld [tilespmem:s30+$0x10]  }
0x50: {  	v8 =	vld [tilespmem:s3+$0xFFFFFF00];
	v4 =	vmul.f32 v4, v11  }
0x51: {  	v10 =	vld [tilespmem:s31+$0xFFFFFF00]  }
0x52: {  	v11 =	vld [tilespmem:s31+$0xFFFFFF10];
	v3 =	vmul.f32 v3, v7  }
0x53: {  	v7 =	vld [tilespmem:s3+$0xFFFFFF20]  }
0x54: {  	v13 =	vld [tilespmem:s30+$0xFFFFFF20];
	v2 =	vmul.f32 v2, v9  }
0x55: {  	v8 =	vmul.f32 v12, v8;
	v9 =	vld [tilespmem:s31+$0xFFFFFF80]  }
0x56: {  	v12 =	vld [tilespmem:s31+$0xFFFFFF90]  }
0x57: {  	v8 =	vmul.f32 v10, v8;
	v6 =	vmul.f32 v11, v6;
	v10 =	vld [tilespmem:s3+$0xFFFFFFA0]  }
0x58: {  	v11 =	vld [tilespmem:s30+$0xFFFFFFA0]  }
0x59: {  	v6 =	vadd.f32 v6, v8;
	v7 =	vmul.f32 v13, v7;
	v8 =	vld [tilespmem:s31+$0x0]  }
0x5a: {  	v5 =	vmul.f32 v9, v5;
	v9 =	vld [tilespmem:s31+$0x10]  }
0x5b: {  	v4 =	vmul.f32 v12, v4;
	v12 =	vld [tilespmem:s3+$0x20]  }
0x5c: {  	v13 =	vld [tilespmem:s30+$0x20]  }
0x5d: {  	v14 =	vld [tilespmem:s31+$0xFFFFFF20];
	v4 =	vadd.f32 v4, v5;
	v5 =	vmul.f32 v11, v10  }
0x5e: {  	v10 =	vld [tilespmem:s3+$0xFFFFFF30];
	v3 =	vmul.f32 v8, v3  }
0x5f: {  	v8 =	vld [tilespmem:s30+$0xFFFFFF30];
	v2 =	vmul.f32 v9, v2  }
0x60: {  	v9 =	vld [tilespmem:s31+$0xFFFFFFA0]  }
0x61: {  	v11 =	vld [tilespmem:s3+$0xFFFFFFB0];
	v2 =	vadd.f32 v2, v3;
	v3 =	vmul.f32 v13, v12  }
0x62: {  	v7 =	vmul.f32 v14, v7;
	v12 =	vld [tilespmem:s30+$0xFFFFFFB0]  }
0x63: {  	v13 =	vld [tilespmem:s31+$0x20]  }
0x64: {  	v6 =	vadd.f32 v7, v6;
	v7 =	vmul.f32 v8, v10;
	v8 =	vld [tilespmem:s3+$0x30]  }
0x65: {  	v5 =	vmul.f32 v9, v5;
	v9 =	vld [tilespmem:s30+$0x30]  }
0x66: {  	v10 =	vld [tilespmem:s31+$0xFFFFFF30]  }
0x67: {  	v14 =	vld [tilespmem:s3+$0xFFFFFF40];
	v4 =	vadd.f32 v5, v4;
	v5 =	vmul.f32 v12, v11  }
0x68: {  	v11 =	vld [tilespmem:s30+$0xFFFFFF40];
	v3 =	vmul.f32 v13, v3  }
0x69: {  	v12 =	vld [tilespmem:s31+$0xFFFFFFB0]  }
0x6a: {  	v13 =	vld [tilespmem:s3+$0xFFFFFFC0];
	v2 =	vadd.f32 v3, v2;
	v3 =	vmul.f32 v9, v8  }
0x6b: {  	v7 =	vmul.f32 v10, v7;
	v8 =	vld [tilespmem:s30+$0xFFFFFFC0]  }
0x6c: {  	v9 =	vld [tilespmem:s31+$0x30]  }
0x6d: {  	v6 =	vadd.f32 v7, v6;
	v7 =	vmul.f32 v11, v14;
	v10 =	vld [tilespmem:s3+$0x40]  }
0x6e: {  	v5 =	vmul.f32 v12, v5;
	v11 =	vld [tilespmem:s30+$0x40]  }
0x6f: {  	v12 =	vld [tilespmem:s31+$0xFFFFFF40]  }
0x70: {  	v14 =	vld [tilespmem:s3+$0xFFFFFF50];
	v4 =	vadd.f32 v5, v4;
	v5 =	vmul.f32 v8, v13  }
0x71: {  	v8 =	vld [tilespmem:s30+$0xFFFFFF50];
	v3 =	vmul.f32 v9, v3  }
0x72: {  	v9 =	vld [tilespmem:s31+$0xFFFFFFC0]  }
0x73: {  	v13 =	vld [tilespmem:s3+$0xFFFFFFD0];
	v2 =	vadd.f32 v3, v2;
	v3 =	vmul.f32 v11, v10  }
0x74: {  	v7 =	vmul.f32 v12, v7;
	v10 =	vld [tilespmem:s30+$0xFFFFFFD0]  }
0x75: {  	v11 =	vld [tilespmem:s31+$0x40]  }
0x76: {  	v6 =	vadd.f32 v7, v6;
	v7 =	vmul.f32 v8, v14;
	v8 =	vld [tilespmem:s3+$0x50]  }
0x77: {  	v5 =	vmul.f32 v9, v5;
	v9 =	vld [tilespmem:s30+$0x50]  }
0x78: {  	v12 =	vld [tilespmem:s31+$0xFFFFFF50]  }
0x79: {  	v14 =	vld [tilespmem:s3+$0xFFFFFF60];
	v4 =	vadd.f32 v5, v4;
	v5 =	vmul.f32 v10, v13  }
0x7a: {  	v10 =	vld [tilespmem:s30+$0xFFFFFF60];
	v3 =	vmul.f32 v11, v3  }
0x7b: {  	v11 =	vld [tilespmem:s31+$0xFFFFFFD0]  }
0x7c: {  	v13 =	vld [tilespmem:s3+$0xFFFFFFE0];
	v2 =	vadd.f32 v3, v2;
	v3 =	vmul.f32 v9, v8  }
0x7d: {  	v7 =	vmul.f32 v12, v7;
	v8 =	vld [tilespmem:s30+$0xFFFFFFE0]  }
0x7e: {  	v9 =	vld [tilespmem:s31+$0x50]  }
0x7f: {  	v6 =	vadd.f32 v7, v6;
	v7 =	vmul.f32 v10, v14;
	v10 =	vld [tilespmem:s3+$0x60]  }
0x80: {  	v5 =	vmul.f32 v11, v5;
	v11 =	vld [tilespmem:s30+$0x60]  }
0x81: {  	v12 =	vld [tilespmem:s31+$0xFFFFFF60]  }
0x82: {  	v14 =	vld [tilespmem:s3+$0xFFFFFF70];
	v4 =	vadd.f32 v5, v4;
	v5 =	vmul.f32 v8, v13  }
0x83: {  	v8 =	vld [tilespmem:s30+$0xFFFFFF70];
	v3 =	vmul.f32 v9, v3  }
0x84: {  	v9 =	vld [tilespmem:s31+$0xFFFFFFE0]  }
0x85: {  	v13 =	vld [tilespmem:s3+$0xFFFFFFF0];
	v15 =	vadd.f32 v3, v2;
	v2 =	vmul.f32 v11, v10  }
0x86: {  	v3 =	vmul.f32 v12, v7;
	v7 =	vld [tilespmem:s30+$0xFFFFFFF0]  }
0x87: {  	v10 =	vld [tilespmem:s31+$0x60]  }
0x88: {  	v11 =	vadd.f32 v3, v6;
	v6 =	vmul.f32 v8, v14;
	v8 =	vld [tilespmem:s3+$0x70]  }
0x89: {  	v3 =	vmul.f32 v9, v5;
	v5 =	vld [tilespmem:s30+$0x70]  }
0x8a: {  	v9 =	vld [tilespmem:s31+$0xFFFFFF70]  }
0x8b: {  	v12 =	vadd.f32 v3, v4;
	v7 =	vmul.f32 v7, v13;
	v13 =	vld [tilespmem:s31+$0xFFFFFFF0]  }
0x8c: {  	v4 =	vmul.f32 v10, v2;
	v10 =	vld [tilespmem:s31+$0x70];
	s31 =	sadd.s32 $0x200, s31  }
0x8d: {  	v2 =	vld [tilespmem:s31+$0xE0]  }
0x8e: {  	s10 =	sadd.s32 $0x1, s23;
	v14 =	vor.u32 s23, v0;
	v3 =	vld [tilespmem:s31+$0xD0];
	v15 =	vadd.f32 v4, v15;
	v8 =	vmul.f32 v5, v8  }
0x8f: {  	v16 =	vor.u32 s10, v0;
	s10 =	sadd.s32 $0x2, s23;
	s23 =	smov.u32 s9;
	v4 =	vld [tilespmem:s31+$0xC0];
	v9 =	vmul.f32 v9, v6  }
0x90: {  	v17 =	vor.u32 s10, v0;
	v5 =	vld [tilespmem:s31+$0xB0];
	v13 =	vmul.f32 v13, v7  }
0x91: {  	v6 =	vld [tilespmem:s31+$0xA0];
	v9 =	vadd.f32 v9, v11;
	v10 =	vmul.f32 v10, v8  }
0x92: {  	s3 =	sadd.s32 $0x200, s3;
	v7 =	vld [tilespmem:s31+$0x80];
	v11 =	vadd.f32 v13, v12  }
.Ltmp0:
0x93: {  	v8 =	vld [tilespmem:s3+$0xA0];
	[tilespmem:v14+s21+$0x0] =	vst.idx.msk $0xffff, v9;
	v12 =	vadd.f32 v10, v15;
	(pc) =	sbr.rel @p0 .LBB2_4-.Ltmp0, $4  }
0x94: {  	s30 =	sadd.s32 $0x200, s30;
	v9 =	vld [tilespmem:s3+$0x80];
	[tilespmem:v16+s21+$0x0] =	vst.idx.msk $0xffff, v11  }
0x95: {  	v10 =	vld [tilespmem:s30+$0x80];
	[tilespmem:v17+s21+$0x0] =	vst.idx.msk $0xffff, v12  }
0x96: {  	v11 =	vld [tilespmem:s3+$0x90]  }
0x97: {  	s9 =	sadd.s32 $0x4, s9;
	v12 =	vld [tilespmem:s30+$0x90]  }
0x98: {  	v13 =	vld [tilespmem:s30+$0xA0]  }
0x99: {  	v14 =	vld [tilespmem:s31+$0x90]  }
0x9a: {  	v15 =	vld [tilespmem:s3+$0xB0]  }
0x9b: {  	v16 =	vld [tilespmem:s30+$0xB0]  }
0x9c: {  	v17 =	vld [tilespmem:s3+$0xC0]  }
0x9d: {  	v18 =	vld [tilespmem:s30+$0xC0]  }
0x9e: {  	v19 =	vld [tilespmem:s3+$0xD0]  }
0x9f: {  	v20 =	vld [tilespmem:s30+$0xD0]  }
0xa0: {  	v21 =	vld [tilespmem:s3+$0xE0]  }
0xa1: {  	v22 =	vld [tilespmem:s30+$0xE0]  }
0xa2: {  	v23 =	vld [tilespmem:s3+$0xF0]  }
0xa3: {  	v24 =	vld [tilespmem:s30+$0xF0]  }
0xa4: {  	v25 =	vld [tilespmem:s30+$0xFFFFFF00]  }
0xa5: {  	v26 =	vld [tilespmem:s31+$0xF0]  }
0xa6: {  	v27 =	vld [tilespmem:s3+$0xFFFFFF10]  }
0xa7: {  	v28 =	vld [tilespmem:s30+$0xFFFFFF10]  }
0xa8: {  	v29 =	vld [tilespmem:s3+$0xFFFFFF80]  }
0xa9: {  	v30 =	vld [tilespmem:s30+$0xFFFFFF80]  }
0xaa: {  	v31 =	vld [tilespmem:s3+$0xFFFFFF90]  }
0xab: {  	v32 =	vld [tilespmem:s30+$0xFFFFFF90]  }
0xac: {  	v33 =	vld [tilespmem:s3+$0x0]  }
0xad: {  	v34 =	vld [tilespmem:s30+$0x0]  }
0xae: {  	v35 =	vld [tilespmem:s3+$0x10]  }
0xaf: {  	v36 =	vld [tilespmem:s30+$0x10]  }
0xb0: {  	v37 =	vld [tilespmem:s3+$0xFFFFFF00]  }
0xb1: {  	v38 =	vld [tilespmem:s31+$0xFFFFFF00]  }
0xb2: {  	v39 =	vld [tilespmem:s31+$0xFFFFFF10]  }
0xb3: {  	v40 =	vld [tilespmem:s3+$0xFFFFFF20]  }
0xb4: {  	v41 =	vld [tilespmem:s30+$0xFFFFFF20]  }
0xb5: {  	v42 =	vld [tilespmem:s31+$0xFFFFFF80]  }
0xb6: {  	v43 =	vld [tilespmem:s31+$0xFFFFFF90]  }
0xb7: {  	v44 =	vld [tilespmem:s3+$0xFFFFFFA0]  }
0xb8: {  	v45 =	vld [tilespmem:s30+$0xFFFFFFA0]  }
0xb9: {  	v46 =	vld [tilespmem:s31+$0x0]  }
0xba: {  	v47 =	vld [tilespmem:s31+$0x10]  }
0xbb: {  	v48 =	vld [tilespmem:s3+$0x20]  }
0xbc: {  	v49 =	vld [tilespmem:s30+$0x20]  }
0xbd: {  	v50 =	vld [tilespmem:s31+$0xFFFFFF20]  }
0xbe: {  	v51 =	vld [tilespmem:s3+$0xFFFFFF30]  }
0xbf: {  	v52 =	vld [tilespmem:s30+$0xFFFFFF30]  }
0xc0: {  	v53 =	vld [tilespmem:s31+$0xFFFFFFA0]  }
0xc1: {  	v54 =	vld [tilespmem:s3+$0xFFFFFFB0]  }
0xc2: {  	v55 =	vld [tilespmem:s30+$0xFFFFFFB0]  }
0xc3: {  	v56 =	vld [tilespmem:s31+$0x20]  }
0xc4: {  	v1 =	vld [tilespmem:s31+$0xFFFFFFB0]  }
0xc5: {  	v57 =	vld [tilespmem:s3+$0x30]  }
0xc6: {  	v58 =	vld [tilespmem:s30+$0x30]  }
0xc7: {  	v59 =	vld [tilespmem:s31+$0xFFFFFF30]  }
0xc8: {  	v60 =	vld [tilespmem:s3+$0xFFFFFF40]  }
0xc9: {  	v61 =	vld [tilespmem:s30+$0xFFFFFF40];
	[tilespmem:$0x1FFB0] =	vst v1  }
0xca: {  	v62 =	vld [tilespmem:s31+$0x30];
	_ =	sdelay $0x3  }
0xcb: {  	v63 =	vld [tilespmem:s3+$0xFFFFFFC0]  }
0xcc: {  	v1 =	vld [tilespmem:s30+$0xFFFFFFC0];
	[tilespmem:$0x1FFC0] =	vst v62  }
0xcd: {  	v62 =	vld [tilespmem:s3+$0x40];
	_ =	sdelay $0x4  }
0xce: {  	[tilespmem:$0x1FFE0] =	vst v62  }
0xcf: {  	v62 =	vld [tilespmem:s30+$0x40]  }
0xd0: {  	v34 =	vmul.f32 v34, v33  }
0xd1: {  	v22 =	vmul.f32 v22, v21;
	v41 =	vmul.f32 v41, v40  }
0xd2: {  	v45 =	vmul.f32 v45, v44;
	v21 =	vmul.f32 v46, v34  }
0xd3: {  	v46 =	vmul.f32 v49, v48;
	v48 =	vmul.f32 v50, v41  }
0xd4: {  	v50 =	vmul.f32 v53, v45;
	v53 =	vmul.f32 v58, v57;
	v58 =	vld [tilespmem:$0x1FFB0];
	[tilespmem:$0x1FFD0] =	vst v62  }
0xd5: {  	v9 =	vmul.f32 v10, v9;
	v10 =	vld [tilespmem:s31+$0xFFFFFF40]  }
0xd6: {  	v11 =	vmul.f32 v12, v11;
	v8 =	vmul.f32 v13, v8;
	v12 =	vld [tilespmem:s3+$0xFFFFFF50]  }
0xd7: {  	v7 =	vmul.f32 v7, v9;
	v16 =	vmul.f32 v16, v15;
	v13 =	vld [tilespmem:s30+$0xFFFFFF50]  }
0xd8: {  	v11 =	vmul.f32 v14, v11;
	v6 =	vmul.f32 v6, v8;
	v8 =	vld [tilespmem:s31+$0xFFFFFFC0]  }
0xd9: {  	v14 =	vld [tilespmem:s3+$0xFFFFFFD0]  }
0xda: {  	v5 =	vmul.f32 v5, v16;
	v7 =	vadd.f32 v11, v7;
	v16 =	vld [tilespmem:s30+$0xFFFFFFD0]  }
0xdb: {  	v62 =	vmul.f32 v18, v17;
	v17 =	vld [tilespmem:s31+$0x40]  }
0xdc: {  	v6 =	vadd.f32 v6, v7;
	v7 =	vld [tilespmem:s3+$0x50]  }
0xdd: {  	v15 =	vld [tilespmem:s30+$0x50]  }
0xde: {  	v20 =	vmul.f32 v20, v19;
	v19 =	vld [tilespmem:s31+$0xFFFFFF50]  }
0xdf: {  	v2 =	vmul.f32 v2, v22;
	v22 =	vld [tilespmem:s3+$0xFFFFFF60]  }
0xe0: {  	v24 =	vmul.f32 v24, v23;
	v23 =	vld [tilespmem:s30+$0xFFFFFF60]  }
0xe1: {  	v29 =	vmul.f32 v30, v29;
	v30 =	vmul.f32 v25, v37;
	v25 =	vld [tilespmem:s31+$0xFFFFFFD0]  }
0xe2: {  	v3 =	vmul.f32 v3, v20;
	v20 =	vld [tilespmem:s3+$0xFFFFFFE0]  }
0xe3: {  	v28 =	vmul.f32 v28, v27;
	v27 =	vld [tilespmem:s30+$0xFFFFFFE0]  }
0xe4: {  	v42 =	vmul.f32 v42, v29;
	v29 =	vld [tilespmem:s3+$0x60]  }
0xe5: {  	v49 =	vmul.f32 v52, v51;
	v52 =	vld [tilespmem:s30+$0x60]  }
0xe6: {  	v51 =	vmul.f32 v55, v54;
	v54 =	vld [tilespmem:s31+$0xFFFFFF60]  }
0xe7: {  	v57 =	vld [tilespmem:s3+$0xFFFFFF70]  }
0xe8: {  	v55 =	vmul.f32 v59, v49;
	v59 =	vld [tilespmem:s30+$0xFFFFFF70]  }
0xe9: {  	v37 =	vmul.f32 v36, v35;
	v1 =	vmul.f32 v1, v63;
	v63 =	vld [tilespmem:s31+$0xFFFFFFE0]  }
0xea: {  	v11 =	vmul.f32 v39, v28;
	v18 =	vmul.f32 v38, v30;
	v36 =	vld [tilespmem:s3+$0xFFFFFFF0]  }
0xeb: {  	v5 =	vadd.f32 v5, v6;
	v38 =	vld [tilespmem:s30+$0xFFFFFFF0];
	v4 =	vmul.f32 v4, v62  }
0xec: {  	v32 =	vmul.f32 v32, v31;
	v9 =	vmul.f32 v26, v24;
	v40 =	vld [tilespmem:s31+$0x60];
	v11 =	vadd.f32 v11, v18  }
0xed: {  	v45 =	vld [tilespmem:s30+$0x70];
	v4 =	vadd.f32 v4, v5;
	v5 =	vmul.f32 v56, v46;
	v56 =	vmul.f32 v61, v60  }
0xee: {  	v43 =	vmul.f32 v43, v32;
	v6 =	vmul.f32 v58, v51;
	v62 =	vld [tilespmem:$0x1FFE0];
	v11 =	vadd.f32 v48, v11  }
0xef: {  	v60 =	vld [tilespmem:$0x1FFC0];
	v3 =	vadd.f32 v3, v4;
	v10 =	vmul.f32 v10, v56;
	v12 =	vmul.f32 v13, v12  }
0xf0: {  	v61 =	vld [tilespmem:$0x1FFD0];
	v4 =	vadd.f32 v43, v42;
	v1 =	vmul.f32 v8, v1;
	v7 =	vmul.f32 v15, v7  }
0xf1: {  	v48 =	vld [tilespmem:s31+$0xFFFFFF70];
	v11 =	vadd.f32 v55, v11;
	v42 =	vmul.f32 v23, v22;
	v49 =	vmul.f32 v27, v20  }
0xf2: {  	s30 =	sadd.s32 $0x1, s23;
	v51 =	vmul.f32 v52, v29;
	v52 =	vld [tilespmem:s31+$0x70];
	v2 =	vadd.f32 v2, v3;
	v3 =	vmul.f32 v47, v37  }
0xf3: {  	v8 =	vmul.f32 v38, v36;
	v55 =	vor.u32 s23, v0;
	v56 =	vor.u32 s30, v0;
	v47 =	vld [tilespmem:s31+$0x50]  }
0xf4: {  	v4 =	vadd.f32 v50, v4;
	v37 =	vmul.f32 v16, v14;
	v50 =	vld [tilespmem:s31+$0xFFFFFFF0];
	s31 =	sadd.s32 $0x2, s23;
	v3 =	vadd.f32 v3, v21  }
0xf5: {  	v10 =	vadd.f32 v10, v11;
	v41 =	vmul.f32 v19, v12;
	v58 =	vor.u32 s31, v0  }
0xf6: {  	v43 =	vld [tilespmem:s3+$0x70];
	v21 =	vmul.f32 v61, v62;
	v3 =	vadd.f32 v5, v3;
	v5 =	vmul.f32 v60, v53  }
0xf7: {  	v4 =	vadd.f32 v6, v4;
	v44 =	vmul.f32 v25, v37;
	v46 =	vadd.f32 v41, v10  }
0xf8: {  	v39 =	vmul.f32 v17, v21;
	v53 =	vmul.f32 v59, v57;
	v3 =	vadd.f32 v5, v3  }
0xf9: {  	s10 =	sadd.s32 $0x3, s23;
	v1 =	vadd.f32 v1, v4;
	v4 =	vmul.f32 v63, v49;
	v7 =	vmul.f32 v47, v7  }
0xfa: {  	v47 =	vmul.f32 v54, v42;
	v54 =	vor.u32 s10, v0;
	v3 =	vadd.f32 v39, v3  }
0xfb: {  	v1 =	vadd.f32 v44, v1;
	v5 =	vmul.f32 v45, v43;
	v11 =	vmul.f32 v48, v53  }
0xfc: {  	v6 =	vadd.f32 v47, v46;
	v3 =	vadd.f32 v7, v3;
	v7 =	vmul.f32 v40, v51  }
0xfd: {  	v2 =	vadd.f32 v9, v2;
	v57 =	vmul.f32 v50, v8;
	v1 =	vadd.f32 v4, v1  }
0xfe: {  	v5 =	vmul.f32 v52, v5;
	v6 =	vadd.f32 v11, v6;
	v3 =	vadd.f32 v7, v3  }
0xff: {  	[tilespmem:v54+s21+$0x0] =	vst.idx.msk $0xffff, v2;
	v1 =	vadd.f32 v57, v1  }
0x100: {  	[tilespmem:v55+s21+$0x0] =	vst.idx.msk $0xffff, v6;
	v2 =	vadd.f32 v5, v3  }
0x101: {  	[tilespmem:v56+s21+$0x0] =	vst.idx.msk $0xffff, v1  }
0x102: {  	[tilespmem:v58+s21+$0x0] =	vst.idx.msk $0xffff, v2  }
0x103: {  	v1 =	vld [tilespmem:$0x13F00]  }
0x104: {  	v2 =	vld [tilespmem:$0x13F10];
	_ =	sdelay $0x1  }
0x105: {  	v3 =	vld [tilespmem:$0x13F20];
	_ =	sdelay $0x1  }
0x106: {  	v59 =	vld [tilespmem:$0x13F30]  }
0x107: {  	v1 =	vadd.f32 v2, v1  }
0x108: {  	v2 =	vld [tilespmem:$0x13F40]  }
0x109: {  	v1 =	vadd.f32 v3, v1  }
0x10a: {  	v3 =	vld [tilespmem:$0x13F50]  }
0x10b: {  	v1 =	vadd.f32 v59, v1  }
0x10c: {  	v60 =	vld [tilespmem:$0x13F60]  }
0x10d: {  	v1 =	vadd.f32 v2, v1  }
0x10e: {  	v2 =	vld [tilespmem:$0x13F70]  }
0x10f: {  	v1 =	vadd.f32 v3, v1  }
0x110: {  	v3 =	vld [tilespmem:$0x13F80]  }
0x111: {  	v1 =	vadd.f32 v60, v1  }
0x112: {  	v61 =	vld [tilespmem:$0x13F90]  }
0x113: {  	v1 =	vadd.f32 v2, v1  }
0x114: {  	v2 =	vld [tilespmem:$0x13FA0]  }
0x115: {  	v1 =	vadd.f32 v3, v1  }
0x116: {  	v3 =	vld [tilespmem:$0x13FB0]  }
0x117: {  	v1 =	vadd.f32 v61, v1  }
0x118: {  	v62 =	vld [tilespmem:$0x13FC0]  }
0x119: {  	v1 =	vadd.f32 v2, v1  }
0x11a: {  	v2 =	vld [tilespmem:$0x13FD0]  }
0x11b: {  	v1 =	vadd.f32 v3, v1;
	_ =	sdelay $0x1  }
0x11c: {  	v1 =	vadd.f32 v62, v1  }
0x11d: {  	v3 =	vld [tilespmem:$0x13FE0]  }
0x11e: {  	v1 =	vadd.f32 v2, v1;
	v2 =	vld [tilespmem:$0x1FFF0]  }
0x11f: {  	v63 =	vld [tilespmem:$0x13FF0]  }
0x120: {  	s29 =	sadd.s32 $0x1, s29  }
0x121: {  	p0 =	sne.s32 s29, $0x5  }
.Ltmp1:
0x122: {  	v1 =	vadd.f32 v3, v1;
	(pc) =	sbr.rel @p0 .LBB2_3-.Ltmp1, $3  }
0x123: {  	_ = 	snop  }
0x124: {  	v1 =	vadd.f32 v63, v1;
	_ =	sdelay $0x1  }
0x125: {  	s7 =	sadd.s32 $0x800, s7;
	s12 =	sadd.s32 $0x800, s12;
	s8 =	sadd.s32 $0x800, s8;
	[tilespmem:v2+s1+$0x0 ss:$0x1] =	vst.idx.msk $0xffff, v1  }
0x126: {  	s1 =	sadd.s32 s6, s28;
	s3 =	sadd.s32 $0xF0A0, s28  }
0x127: {  	[tilespmem:s15], [sflag:$0x1] =	stream.indirect.gather [hbm4b:s4+s14], $0x80, s3, s14, $0xb8;
	[tilespmem:$0x14000] =	vst v63  }
0x128: {  	s1 =	sshll.u32 s1, $0x4  }
0x129: {  	s1 =	sadd.s32 $0xA00, s1  }
0x12a: {  	s28 =	simm.s32 $0x0;
	s30 =	sadd.s32 s0, s1  }
0x12b: {  	[tilespmem:s28], [sflag:$0x1] =	stream.linear.gather [hbm4b:s30+s28], $0x2800, $0x38;
	[tilespmem:$0x14000] =	vst v63  }
0x12c: {  	s1 =	sadd.s32 s2, s1  }
0x12d: {  	[tilespmem:s16], [sflag:$0x1] =	stream.linear.gather [hbm4b:s1+s28], $0x2800, $0x38;
	[tilespmem:$0x14000] =	vst v63  }
0x12e: {  	_ =	swait.ge [sflag:s22], $0x2800  }
0x12f: {  	[sflag:s22] =	ssyncset.done $0x0  }
0x130: {  	[sflag:s22] =	ssyncadd.s32 $0xFFFFD800  }
0x131: {  	_ =	swait.ge [sflag:s22], $0x2800  }
0x132: {  	[sflag:s22] =	ssyncset.done $0x0  }
0x133: {  	[sflag:s22] =	ssyncadd.s32 $0xFFFFD800  }
0x134: {  	s31 =	sadd.s32 $0x11780, s26;
	_ =	swait.ge [sflag:s22], $0x2800  }
0x135: {  	s26 =	simm.s32 $0xC9F0;
	v1 =	vmov s31;
	[sflag:s22] =	ssyncset.done $0x0  }
0x136: {  	s29 =	simm.s32 $0x79F0;
	s3 =	simm.s32 $0x29F0;
	[tilespmem:$0x1FFA0] =	vst v1;
	[sflag:s22] =	ssyncadd.s32 $0xFFFFD800  }
.LBB2_7:
0x137: {  	v2 =	vld [tilespmem:s26+$0xFFFFFFF0]  }
0x138: {  	v3 =	vld [tilespmem:s26+$0xFFFFFFE0]  }
0x139: {  	v4 =	vld [tilespmem:s26+$0xFFFFFFD0]  }
0x13a: {  	v5 =	vld [tilespmem:s26+$0xFFFFFFC0]  }
0x13b: {  	v6 =	vld [tilespmem:s26+$0xFFFFFFB0]  }
0x13c: {  	v7 =	vld [tilespmem:s26+$0xFFFFFF90]  }
0x13d: {  	v8 =	vld [tilespmem:s3+$0xFFFFFFB0]  }
0x13e: {  	v9 =	vld [tilespmem:s3+$0xFFFFFF90]  }
0x13f: {  	v10 =	vld [tilespmem:s29+$0xFFFFFF90]  }
0x140: {  	v11 =	vld [tilespmem:s3+$0xFFFFFFA0];
	s1 =	sshll.u32 s28, $0x4;
	s9 =	simm.s32 $0x4;
	s7 =	smov.u32 s29  }
0x141: {  	v12 =	vld [tilespmem:s29+$0xFFFFFFA0];
	s12 =	smov.u32 s26;
	s8 =	smov.u32 s3;
	s23 =	simm.s32 $0x0  }
.LBB2_8:
0x142: {  	p0 =	slt.u32 s9, $0xC;
	v13 =	vld [tilespmem:s7+$0xFFFFFFB0]  }
0x143: {  	v14 =	vld [tilespmem:s12+$0xFFFFFFA0]  }
0x144: {  	v15 =	vld [tilespmem:s8+$0xFFFFFFC0]  }
0x145: {  	v16 =	vld [tilespmem:s7+$0xFFFFFFC0]  }
0x146: {  	v9 =	vmul.f32 v10, v9;
	v10 =	vmul.f32 v12, v11;
	v11 =	vld [tilespmem:s8+$0xFFFFFFD0]  }
0x147: {  	v8 =	vmul.f32 v13, v8;
	v12 =	vld [tilespmem:s7+$0xFFFFFFD0]  }
0x148: {  	v7 =	vmul.f32 v7, v9;
	v9 =	vmul.f32 v14, v10;
	v10 =	vld [tilespmem:s8+$0xFFFFFFE0]  }
0x149: {  	v13 =	vld [tilespmem:s7+$0xFFFFFFE0]  }
0x14a: {  	v6 =	vmul.f32 v6, v8;
	v7 =	vadd.f32 v9, v7;
	v8 =	vmul.f32 v16, v15;
	v9 =	vld [tilespmem:s8+$0xFFFFFFF0]  }
0x14b: {  	v14 =	vld [tilespmem:s7+$0xFFFFFFF0]  }
0x14c: {  	v6 =	vadd.f32 v6, v7;
	v5 =	vmul.f32 v5, v8;
	v7 =	vmul.f32 v12, v11;
	v8 =	vld [tilespmem:s8+$0x0]  }
0x14d: {  	v11 =	vld [tilespmem:s7+$0x0]  }
0x14e: {  	v12 =	vld [tilespmem:s7+$0xFFFFFE10];
	v5 =	vadd.f32 v5, v6;
	v4 =	vmul.f32 v4, v7;
	v6 =	vmul.f32 v13, v10  }
0x14f: {  	v7 =	vld [tilespmem:s12+$0x0]  }
0x150: {  	v10 =	vld [tilespmem:s8+$0xFFFFFE20];
	v4 =	vadd.f32 v4, v5;
	v3 =	vmul.f32 v3, v6;
	v5 =	vmul.f32 v14, v9  }
0x151: {  	v6 =	vld [tilespmem:s7+$0xFFFFFE20]  }
0x152: {  	s10 =	sadd.s32 $0x3, s23;
	v9 =	vld [tilespmem:s8+$0xFFFFFE90];
	v3 =	vadd.f32 v3, v4;
	v2 =	vmul.f32 v2, v5;
	v4 =	vmul.f32 v11, v8  }
0x153: {  	v8 =	vor.u32 s10, v0;
	v5 =	vld [tilespmem:s7+$0xFFFFFE90]  }
0x154: {  	v11 =	vld [tilespmem:s8+$0xFFFFFEA0];
	v2 =	vadd.f32 v2, v3;
	v3 =	vmul.f32 v7, v4  }
0x155: {  	v4 =	vld [tilespmem:s7+$0xFFFFFEA0]  }
0x156: {  	v6 =	vmul.f32 v6, v10;
	v7 =	vld [tilespmem:s8+$0xFFFFFF10];
	v2 =	vadd.f32 v3, v2  }
0x157: {  	v3 =	vld [tilespmem:s7+$0xFFFFFF10]  }
0x158: {  	v5 =	vmul.f32 v5, v9;
	v9 =	vld [tilespmem:s8+$0xFFFFFF20];
	[tilespmem:v8+s21+$0x0] =	vst.idx.msk $0xffff, v2  }
0x159: {  	v2 =	vld [tilespmem:s7+$0xFFFFFF20]  }
0x15a: {  	v8 =	vld [tilespmem:s8+$0xFFFFFE10];
	v4 =	vmul.f32 v4, v11  }
0x15b: {  	v10 =	vld [tilespmem:s12+$0xFFFFFE10]  }
0x15c: {  	v11 =	vld [tilespmem:s12+$0xFFFFFE20];
	v3 =	vmul.f32 v3, v7  }
0x15d: {  	v7 =	vld [tilespmem:s8+$0xFFFFFE30]  }
0x15e: {  	v13 =	vld [tilespmem:s7+$0xFFFFFE30];
	v2 =	vmul.f32 v2, v9  }
0x15f: {  	v8 =	vmul.f32 v12, v8;
	v9 =	vld [tilespmem:s12+$0xFFFFFE90]  }
0x160: {  	v12 =	vld [tilespmem:s12+$0xFFFFFEA0]  }
0x161: {  	v8 =	vmul.f32 v10, v8;
	v6 =	vmul.f32 v11, v6;
	v10 =	vld [tilespmem:s8+$0xFFFFFEB0]  }
0x162: {  	v11 =	vld [tilespmem:s7+$0xFFFFFEB0]  }
0x163: {  	v6 =	vadd.f32 v6, v8;
	v7 =	vmul.f32 v13, v7;
	v8 =	vld [tilespmem:s12+$0xFFFFFF10]  }
0x164: {  	v5 =	vmul.f32 v9, v5;
	v9 =	vld [tilespmem:s12+$0xFFFFFF20]  }
0x165: {  	v4 =	vmul.f32 v12, v4;
	v12 =	vld [tilespmem:s8+$0xFFFFFF30]  }
0x166: {  	v13 =	vld [tilespmem:s7+$0xFFFFFF30]  }
0x167: {  	v14 =	vld [tilespmem:s12+$0xFFFFFE30];
	v4 =	vadd.f32 v4, v5;
	v5 =	vmul.f32 v11, v10  }
0x168: {  	v10 =	vld [tilespmem:s8+$0xFFFFFE40];
	v3 =	vmul.f32 v8, v3  }
0x169: {  	v8 =	vld [tilespmem:s7+$0xFFFFFE40];
	v2 =	vmul.f32 v9, v2  }
0x16a: {  	v9 =	vld [tilespmem:s12+$0xFFFFFEB0]  }
0x16b: {  	v11 =	vld [tilespmem:s8+$0xFFFFFEC0];
	v2 =	vadd.f32 v2, v3;
	v3 =	vmul.f32 v13, v12  }
0x16c: {  	v7 =	vmul.f32 v14, v7;
	v12 =	vld [tilespmem:s7+$0xFFFFFEC0]  }
0x16d: {  	v13 =	vld [tilespmem:s12+$0xFFFFFF30]  }
0x16e: {  	v6 =	vadd.f32 v7, v6;
	v7 =	vmul.f32 v8, v10;
	v8 =	vld [tilespmem:s8+$0xFFFFFF40]  }
0x16f: {  	v5 =	vmul.f32 v9, v5;
	v9 =	vld [tilespmem:s7+$0xFFFFFF40]  }
0x170: {  	v10 =	vld [tilespmem:s12+$0xFFFFFE40]  }
0x171: {  	v14 =	vld [tilespmem:s8+$0xFFFFFE50];
	v4 =	vadd.f32 v5, v4;
	v5 =	vmul.f32 v12, v11  }
0x172: {  	v11 =	vld [tilespmem:s7+$0xFFFFFE50];
	v3 =	vmul.f32 v13, v3  }
0x173: {  	v12 =	vld [tilespmem:s12+$0xFFFFFEC0]  }
0x174: {  	v13 =	vld [tilespmem:s8+$0xFFFFFED0];
	v2 =	vadd.f32 v3, v2;
	v3 =	vmul.f32 v9, v8  }
0x175: {  	v7 =	vmul.f32 v10, v7;
	v8 =	vld [tilespmem:s7+$0xFFFFFED0]  }
0x176: {  	v9 =	vld [tilespmem:s12+$0xFFFFFF40]  }
0x177: {  	v6 =	vadd.f32 v7, v6;
	v7 =	vmul.f32 v11, v14;
	v10 =	vld [tilespmem:s8+$0xFFFFFF50]  }
0x178: {  	v5 =	vmul.f32 v12, v5;
	v11 =	vld [tilespmem:s7+$0xFFFFFF50]  }
0x179: {  	v12 =	vld [tilespmem:s12+$0xFFFFFE50]  }
0x17a: {  	v14 =	vld [tilespmem:s8+$0xFFFFFE60];
	v4 =	vadd.f32 v5, v4;
	v5 =	vmul.f32 v8, v13  }
0x17b: {  	v8 =	vld [tilespmem:s7+$0xFFFFFE60];
	v3 =	vmul.f32 v9, v3  }
0x17c: {  	v9 =	vld [tilespmem:s12+$0xFFFFFED0]  }
0x17d: {  	v13 =	vld [tilespmem:s8+$0xFFFFFEE0];
	v2 =	vadd.f32 v3, v2;
	v3 =	vmul.f32 v11, v10  }
0x17e: {  	v7 =	vmul.f32 v12, v7;
	v10 =	vld [tilespmem:s7+$0xFFFFFEE0]  }
0x17f: {  	v11 =	vld [tilespmem:s12+$0xFFFFFF50]  }
0x180: {  	v6 =	vadd.f32 v7, v6;
	v7 =	vmul.f32 v8, v14;
	v8 =	vld [tilespmem:s8+$0xFFFFFF60]  }
0x181: {  	v5 =	vmul.f32 v9, v5;
	v9 =	vld [tilespmem:s7+$0xFFFFFF60]  }
0x182: {  	v12 =	vld [tilespmem:s12+$0xFFFFFE60]  }
0x183: {  	v14 =	vld [tilespmem:s8+$0xFFFFFE70];
	v4 =	vadd.f32 v5, v4;
	v5 =	vmul.f32 v10, v13  }
0x184: {  	v10 =	vld [tilespmem:s7+$0xFFFFFE70];
	v3 =	vmul.f32 v11, v3  }
0x185: {  	v11 =	vld [tilespmem:s12+$0xFFFFFEE0]  }
0x186: {  	v13 =	vld [tilespmem:s8+$0xFFFFFEF0];
	v2 =	vadd.f32 v3, v2;
	v3 =	vmul.f32 v9, v8  }
0x187: {  	v7 =	vmul.f32 v12, v7;
	v8 =	vld [tilespmem:s7+$0xFFFFFEF0]  }
0x188: {  	v9 =	vld [tilespmem:s12+$0xFFFFFF60]  }
0x189: {  	v6 =	vadd.f32 v7, v6;
	v7 =	vmul.f32 v10, v14;
	v10 =	vld [tilespmem:s8+$0xFFFFFF70]  }
0x18a: {  	v5 =	vmul.f32 v11, v5;
	v11 =	vld [tilespmem:s7+$0xFFFFFF70]  }
0x18b: {  	v12 =	vld [tilespmem:s12+$0xFFFFFE70]  }
0x18c: {  	v14 =	vld [tilespmem:s8+$0xFFFFFE80];
	v4 =	vadd.f32 v5, v4;
	v5 =	vmul.f32 v8, v13  }
0x18d: {  	v8 =	vld [tilespmem:s7+$0xFFFFFE80];
	v3 =	vmul.f32 v9, v3  }
0x18e: {  	v9 =	vld [tilespmem:s12+$0xFFFFFEF0]  }
0x18f: {  	v13 =	vld [tilespmem:s8+$0xFFFFFF00];
	v15 =	vadd.f32 v3, v2;
	v2 =	vmul.f32 v11, v10  }
0x190: {  	v3 =	vmul.f32 v12, v7;
	v7 =	vld [tilespmem:s7+$0xFFFFFF00]  }
0x191: {  	v10 =	vld [tilespmem:s12+$0xFFFFFF70]  }
0x192: {  	v11 =	vadd.f32 v3, v6;
	v6 =	vmul.f32 v8, v14;
	v8 =	vld [tilespmem:s8+$0xFFFFFF80]  }
0x193: {  	v3 =	vmul.f32 v9, v5;
	v5 =	vld [tilespmem:s7+$0xFFFFFF80]  }
0x194: {  	v9 =	vld [tilespmem:s12+$0xFFFFFE80]  }
0x195: {  	v12 =	vadd.f32 v3, v4;
	v7 =	vmul.f32 v7, v13;
	v13 =	vld [tilespmem:s12+$0xFFFFFF00]  }
0x196: {  	v4 =	vmul.f32 v10, v2;
	v10 =	vld [tilespmem:s12+$0xFFFFFF80];
	s12 =	sadd.s32 $0x200, s12  }
0x197: {  	v2 =	vld [tilespmem:s12+$0xFFFFFFF0]  }
0x198: {  	s10 =	sadd.s32 $0x1, s23;
	v14 =	vor.u32 s23, v0;
	v3 =	vld [tilespmem:s12+$0xFFFFFFE0];
	v15 =	vadd.f32 v4, v15;
	v8 =	vmul.f32 v5, v8  }
0x199: {  	v16 =	vor.u32 s10, v0;
	s10 =	sadd.s32 $0x2, s23;
	s23 =	smov.u32 s9;
	v4 =	vld [tilespmem:s12+$0xFFFFFFD0];
	v9 =	vmul.f32 v9, v6  }
0x19a: {  	v17 =	vor.u32 s10, v0;
	v5 =	vld [tilespmem:s12+$0xFFFFFFC0];
	v13 =	vmul.f32 v13, v7  }
0x19b: {  	v6 =	vld [tilespmem:s12+$0xFFFFFFB0];
	v9 =	vadd.f32 v9, v11;
	v10 =	vmul.f32 v10, v8  }
0x19c: {  	s8 =	sadd.s32 $0x200, s8;
	v7 =	vld [tilespmem:s12+$0xFFFFFF90];
	v11 =	vadd.f32 v13, v12  }
.Ltmp2:
0x19d: {  	v8 =	vld [tilespmem:s8+$0xFFFFFFB0];
	[tilespmem:v14+s21+$0x0] =	vst.idx.msk $0xffff, v9;
	v12 =	vadd.f32 v10, v15;
	(pc) =	sbr.rel @p0 .LBB2_8-.Ltmp2, $4  }
0x19e: {  	s7 =	sadd.s32 $0x200, s7;
	v9 =	vld [tilespmem:s8+$0xFFFFFF90];
	[tilespmem:v16+s21+$0x0] =	vst.idx.msk $0xffff, v11  }
0x19f: {  	v10 =	vld [tilespmem:s7+$0xFFFFFF90];
	[tilespmem:v17+s21+$0x0] =	vst.idx.msk $0xffff, v12  }
0x1a0: {  	v11 =	vld [tilespmem:s8+$0xFFFFFFA0]  }
0x1a1: {  	s9 =	sadd.s32 $0x4, s9;
	v12 =	vld [tilespmem:s7+$0xFFFFFFA0]  }
0x1a2: {  	v13 =	vld [tilespmem:s7+$0xFFFFFFB0]  }
0x1a3: {  	v14 =	vld [tilespmem:s12+$0xFFFFFFA0]  }
0x1a4: {  	v15 =	vld [tilespmem:s8+$0xFFFFFFC0]  }
0x1a5: {  	v16 =	vld [tilespmem:s7+$0xFFFFFFC0]  }
0x1a6: {  	v17 =	vld [tilespmem:s8+$0xFFFFFFD0]  }
0x1a7: {  	v18 =	vld [tilespmem:s7+$0xFFFFFFD0]  }
0x1a8: {  	v19 =	vld [tilespmem:s8+$0xFFFFFFE0]  }
0x1a9: {  	v20 =	vld [tilespmem:s7+$0xFFFFFFE0]  }
0x1aa: {  	v21 =	vld [tilespmem:s8+$0xFFFFFFF0]  }
0x1ab: {  	v22 =	vld [tilespmem:s7+$0xFFFFFFF0]  }
0x1ac: {  	v23 =	vld [tilespmem:s8+$0x0]  }
0x1ad: {  	v24 =	vld [tilespmem:s7+$0x0]  }
0x1ae: {  	v25 =	vld [tilespmem:s7+$0xFFFFFE10]  }
0x1af: {  	v26 =	vld [tilespmem:s12+$0x0]  }
0x1b0: {  	v27 =	vld [tilespmem:s8+$0xFFFFFE20]  }
0x1b1: {  	v28 =	vld [tilespmem:s7+$0xFFFFFE20]  }
0x1b2: {  	v29 =	vld [tilespmem:s8+$0xFFFFFE90]  }
0x1b3: {  	v30 =	vld [tilespmem:s7+$0xFFFFFE90]  }
0x1b4: {  	v31 =	vld [tilespmem:s8+$0xFFFFFEA0]  }
0x1b5: {  	v32 =	vld [tilespmem:s7+$0xFFFFFEA0]  }
0x1b6: {  	v33 =	vld [tilespmem:s8+$0xFFFFFF10]  }
0x1b7: {  	v34 =	vld [tilespmem:s7+$0xFFFFFF10]  }
0x1b8: {  	v35 =	vld [tilespmem:s8+$0xFFFFFF20]  }
0x1b9: {  	v36 =	vld [tilespmem:s7+$0xFFFFFF20]  }
0x1ba: {  	v37 =	vld [tilespmem:s8+$0xFFFFFE10]  }
0x1bb: {  	v38 =	vld [tilespmem:s12+$0xFFFFFE10]  }
0x1bc: {  	v39 =	vld [tilespmem:s12+$0xFFFFFE20]  }
0x1bd: {  	v40 =	vld [tilespmem:s8+$0xFFFFFE30]  }
0x1be: {  	v41 =	vld [tilespmem:s7+$0xFFFFFE30]  }
0x1bf: {  	v42 =	vld [tilespmem:s12+$0xFFFFFE90]  }
0x1c0: {  	v43 =	vld [tilespmem:s12+$0xFFFFFEA0]  }
0x1c1: {  	v44 =	vld [tilespmem:s8+$0xFFFFFEB0]  }
0x1c2: {  	v45 =	vld [tilespmem:s7+$0xFFFFFEB0]  }
0x1c3: {  	v46 =	vld [tilespmem:s12+$0xFFFFFF10]  }
0x1c4: {  	v47 =	vld [tilespmem:s12+$0xFFFFFF20]  }
0x1c5: {  	v48 =	vld [tilespmem:s8+$0xFFFFFF30]  }
0x1c6: {  	v49 =	vld [tilespmem:s7+$0xFFFFFF30]  }
0x1c7: {  	v50 =	vld [tilespmem:s12+$0xFFFFFE30]  }
0x1c8: {  	v51 =	vld [tilespmem:s8+$0xFFFFFE40]  }
0x1c9: {  	v52 =	vld [tilespmem:s7+$0xFFFFFE40]  }
0x1ca: {  	v53 =	vld [tilespmem:s12+$0xFFFFFEB0]  }
0x1cb: {  	v54 =	vld [tilespmem:s8+$0xFFFFFEC0]  }
0x1cc: {  	v55 =	vld [tilespmem:s7+$0xFFFFFEC0]  }
0x1cd: {  	v56 =	vld [tilespmem:s12+$0xFFFFFF30]  }
0x1ce: {  	v1 =	vld [tilespmem:s12+$0xFFFFFEC0]  }
0x1cf: {  	v57 =	vld [tilespmem:s8+$0xFFFFFF40]  }
0x1d0: {  	v58 =	vld [tilespmem:s7+$0xFFFFFF40]  }
0x1d1: {  	v59 =	vld [tilespmem:s12+$0xFFFFFE40]  }
0x1d2: {  	v60 =	vld [tilespmem:s8+$0xFFFFFE50]  }
0x1d3: {  	v61 =	vld [tilespmem:s7+$0xFFFFFE50];
	[tilespmem:$0x1FF60] =	vst v1  }
0x1d4: {  	v62 =	vld [tilespmem:s12+$0xFFFFFF40];
	_ =	sdelay $0x3  }
0x1d5: {  	v63 =	vld [tilespmem:s8+$0xFFFFFED0]  }
0x1d6: {  	v1 =	vld [tilespmem:s7+$0xFFFFFED0];
	[tilespmem:$0x1FF70] =	vst v62  }
0x1d7: {  	v62 =	vld [tilespmem:s8+$0xFFFFFF50];
	_ =	sdelay $0x4  }
0x1d8: {  	[tilespmem:$0x1FF90] =	vst v62  }
0x1d9: {  	v62 =	vld [tilespmem:s7+$0xFFFFFF50]  }
0x1da: {  	v34 =	vmul.f32 v34, v33  }
0x1db: {  	v22 =	vmul.f32 v22, v21;
	v41 =	vmul.f32 v41, v40  }
0x1dc: {  	v45 =	vmul.f32 v45, v44;
	v21 =	vmul.f32 v46, v34  }
0x1dd: {  	v46 =	vmul.f32 v49, v48;
	v48 =	vmul.f32 v50, v41  }
0x1de: {  	v50 =	vmul.f32 v53, v45;
	v53 =	vmul.f32 v58, v57;
	v58 =	vld [tilespmem:$0x1FF60];
	[tilespmem:$0x1FF80] =	vst v62  }
0x1df: {  	v9 =	vmul.f32 v10, v9;
	v10 =	vld [tilespmem:s12+$0xFFFFFE50]  }
0x1e0: {  	v11 =	vmul.f32 v12, v11;
	v8 =	vmul.f32 v13, v8;
	v12 =	vld [tilespmem:s8+$0xFFFFFE60]  }
0x1e1: {  	v7 =	vmul.f32 v7, v9;
	v16 =	vmul.f32 v16, v15;
	v13 =	vld [tilespmem:s7+$0xFFFFFE60]  }
0x1e2: {  	v11 =	vmul.f32 v14, v11;
	v6 =	vmul.f32 v6, v8;
	v8 =	vld [tilespmem:s12+$0xFFFFFED0]  }
0x1e3: {  	v14 =	vld [tilespmem:s8+$0xFFFFFEE0]  }
0x1e4: {  	v5 =	vmul.f32 v5, v16;
	v7 =	vadd.f32 v11, v7;
	v16 =	vld [tilespmem:s7+$0xFFFFFEE0]  }
0x1e5: {  	v62 =	vmul.f32 v18, v17;
	v17 =	vld [tilespmem:s12+$0xFFFFFF50]  }
0x1e6: {  	v6 =	vadd.f32 v6, v7;
	v7 =	vld [tilespmem:s8+$0xFFFFFF60]  }
0x1e7: {  	v15 =	vld [tilespmem:s7+$0xFFFFFF60]  }
0x1e8: {  	v20 =	vmul.f32 v20, v19;
	v19 =	vld [tilespmem:s12+$0xFFFFFE60]  }
0x1e9: {  	v2 =	vmul.f32 v2, v22;
	v22 =	vld [tilespmem:s8+$0xFFFFFE70]  }
0x1ea: {  	v24 =	vmul.f32 v24, v23;
	v23 =	vld [tilespmem:s7+$0xFFFFFE70]  }
0x1eb: {  	v29 =	vmul.f32 v30, v29;
	v30 =	vmul.f32 v25, v37;
	v25 =	vld [tilespmem:s12+$0xFFFFFEE0]  }
0x1ec: {  	v3 =	vmul.f32 v3, v20;
	v20 =	vld [tilespmem:s8+$0xFFFFFEF0]  }
0x1ed: {  	v28 =	vmul.f32 v28, v27;
	v32 =	vmul.f32 v32, v31;
	v27 =	vld [tilespmem:s7+$0xFFFFFEF0]  }
0x1ee: {  	v37 =	vmul.f32 v36, v35;
	v42 =	vmul.f32 v42, v29;
	v29 =	vld [tilespmem:s8+$0xFFFFFF70]  }
0x1ef: {  	v49 =	vmul.f32 v52, v51;
	v51 =	vmul.f32 v55, v54;
	v52 =	vld [tilespmem:s7+$0xFFFFFF70]  }
0x1f0: {  	v11 =	vmul.f32 v39, v28;
	v18 =	vmul.f32 v38, v30;
	v54 =	vld [tilespmem:s12+$0xFFFFFE70]  }
0x1f1: {  	v9 =	vmul.f32 v26, v24;
	v5 =	vadd.f32 v5, v6;
	v57 =	vld [tilespmem:s8+$0xFFFFFE80];
	v4 =	vmul.f32 v4, v62  }
0x1f2: {  	v43 =	vmul.f32 v43, v32;
	v55 =	vmul.f32 v59, v49;
	v59 =	vld [tilespmem:s7+$0xFFFFFE80];
	v11 =	vadd.f32 v11, v18  }
0x1f3: {  	s31 =	sadd.s32 $0x2, s23;
	v36 =	vld [tilespmem:s8+$0xFFFFFF00];
	v4 =	vadd.f32 v4, v5;
	v5 =	vmul.f32 v56, v46;
	v56 =	vmul.f32 v61, v60  }
0x1f4: {  	v1 =	vmul.f32 v1, v63;
	v6 =	vmul.f32 v58, v51;
	v58 =	vor.u32 s31, v0;
	v38 =	vld [tilespmem:s7+$0xFFFFFF00]  }
0x1f5: {  	v62 =	vld [tilespmem:$0x1FF90];
	v11 =	vadd.f32 v48, v11;
	v3 =	vadd.f32 v3, v4;
	v10 =	vmul.f32 v10, v56  }
0x1f6: {  	v60 =	vld [tilespmem:$0x1FF70];
	v4 =	vadd.f32 v43, v42;
	v12 =	vmul.f32 v13, v12;
	v1 =	vmul.f32 v8, v1  }
0x1f7: {  	v61 =	vld [tilespmem:$0x1FF80];
	v11 =	vadd.f32 v55, v11;
	v7 =	vmul.f32 v15, v7;
	v42 =	vmul.f32 v23, v22  }
0x1f8: {  	v63 =	vld [tilespmem:s12+$0xFFFFFEF0];
	v49 =	vmul.f32 v27, v20;
	v2 =	vadd.f32 v2, v3;
	v3 =	vmul.f32 v47, v37  }
0x1f9: {  	s30 =	sadd.s32 $0x1, s23;
	v45 =	vld [tilespmem:s7+$0xFFFFFF80];
	v51 =	vmul.f32 v52, v29;
	v8 =	vmul.f32 v38, v36;
	v55 =	vor.u32 s23, v0  }
0x1fa: {  	v56 =	vor.u32 s30, v0;
	v47 =	vld [tilespmem:s12+$0xFFFFFF60];
	v4 =	vadd.f32 v50, v4;
	v3 =	vadd.f32 v3, v21  }
0x1fb: {  	v48 =	vld [tilespmem:s12+$0xFFFFFE80];
	v37 =	vmul.f32 v16, v14;
	v10 =	vadd.f32 v10, v11;
	v41 =	vmul.f32 v19, v12  }
0x1fc: {  	v43 =	vld [tilespmem:s8+$0xFFFFFF80];
	v21 =	vmul.f32 v61, v62;
	v3 =	vadd.f32 v5, v3;
	v5 =	vmul.f32 v60, v53  }
0x1fd: {  	v40 =	vld [tilespmem:s12+$0xFFFFFF70];
	v4 =	vadd.f32 v6, v4;
	v44 =	vmul.f32 v25, v37;
	v46 =	vadd.f32 v41, v10  }
0x1fe: {  	v50 =	vld [tilespmem:s12+$0xFFFFFF00];
	v39 =	vmul.f32 v17, v21;
	v53 =	vmul.f32 v59, v57;
	v3 =	vadd.f32 v5, v3  }
0x1ff: {  	s10 =	sadd.s32 $0x3, s23;
	v52 =	vld [tilespmem:s12+$0xFFFFFF80];
	v1 =	vadd.f32 v1, v4;
	v4 =	vmul.f32 v63, v49;
	v7 =	vmul.f32 v47, v7  }
0x200: {  	v47 =	vmul.f32 v54, v42;
	v54 =	vor.u32 s10, v0;
	v3 =	vadd.f32 v39, v3  }
0x201: {  	v1 =	vadd.f32 v44, v1;
	v5 =	vmul.f32 v45, v43;
	v11 =	vmul.f32 v48, v53  }
0x202: {  	v6 =	vadd.f32 v47, v46;
	v3 =	vadd.f32 v7, v3;
	v7 =	vmul.f32 v40, v51  }
0x203: {  	v2 =	vadd.f32 v9, v2;
	v57 =	vmul.f32 v50, v8;
	v1 =	vadd.f32 v4, v1  }
0x204: {  	v5 =	vmul.f32 v52, v5;
	v6 =	vadd.f32 v11, v6;
	v3 =	vadd.f32 v7, v3  }
0x205: {  	[tilespmem:v54+s21+$0x0] =	vst.idx.msk $0xffff, v2;
	v1 =	vadd.f32 v57, v1  }
0x206: {  	[tilespmem:v55+s21+$0x0] =	vst.idx.msk $0xffff, v6;
	v2 =	vadd.f32 v5, v3  }
0x207: {  	[tilespmem:v56+s21+$0x0] =	vst.idx.msk $0xffff, v1  }
0x208: {  	[tilespmem:v58+s21+$0x0] =	vst.idx.msk $0xffff, v2  }
0x209: {  	v1 =	vld [tilespmem:$0x13F00]  }
0x20a: {  	v2 =	vld [tilespmem:$0x13F10];
	_ =	sdelay $0x1  }
0x20b: {  	v3 =	vld [tilespmem:$0x13F20];
	_ =	sdelay $0x1  }
0x20c: {  	v59 =	vld [tilespmem:$0x13F30]  }
0x20d: {  	v1 =	vadd.f32 v2, v1  }
0x20e: {  	v2 =	vld [tilespmem:$0x13F40]  }
0x20f: {  	v1 =	vadd.f32 v3, v1  }
0x210: {  	v3 =	vld [tilespmem:$0x13F50]  }
0x211: {  	v1 =	vadd.f32 v59, v1  }
0x212: {  	v60 =	vld [tilespmem:$0x13F60]  }
0x213: {  	v1 =	vadd.f32 v2, v1  }
0x214: {  	v2 =	vld [tilespmem:$0x13F70]  }
0x215: {  	v1 =	vadd.f32 v3, v1  }
0x216: {  	v3 =	vld [tilespmem:$0x13F80]  }
0x217: {  	v1 =	vadd.f32 v60, v1  }
0x218: {  	v61 =	vld [tilespmem:$0x13F90]  }
0x219: {  	v1 =	vadd.f32 v2, v1  }
0x21a: {  	v2 =	vld [tilespmem:$0x13FA0]  }
0x21b: {  	v1 =	vadd.f32 v3, v1  }
0x21c: {  	v3 =	vld [tilespmem:$0x13FB0]  }
0x21d: {  	v1 =	vadd.f32 v61, v1  }
0x21e: {  	v62 =	vld [tilespmem:$0x13FC0]  }
0x21f: {  	v1 =	vadd.f32 v2, v1  }
0x220: {  	v2 =	vld [tilespmem:$0x13FD0]  }
0x221: {  	v1 =	vadd.f32 v3, v1;
	_ =	sdelay $0x1  }
0x222: {  	v1 =	vadd.f32 v62, v1  }
0x223: {  	v3 =	vld [tilespmem:$0x13FE0]  }
0x224: {  	v1 =	vadd.f32 v2, v1;
	v2 =	vld [tilespmem:$0x1FFA0]  }
0x225: {  	v63 =	vld [tilespmem:$0x13FF0]  }
0x226: {  	s28 =	sadd.s32 $0x1, s28  }
0x227: {  	p0 =	sne.s32 s28, $0x5  }
.Ltmp3:
0x228: {  	v1 =	vadd.f32 v3, v1;
	(pc) =	sbr.rel @p0 .LBB2_7-.Ltmp3, $3  }
0x229: {  	_ = 	snop  }
0x22a: {  	v1 =	vadd.f32 v63, v1;
	_ =	sdelay $0x1  }
0x22b: {  	s26 =	sadd.s32 $0x800, s26;
	s29 =	sadd.s32 $0x800, s29;
	s3 =	sadd.s32 $0x800, s3;
	[tilespmem:v2+s1+$0x0 ss:$0x1] =	vst.idx.msk $0xffff, v1  }
0x22c: {  	s25 =	sadd.s32 $0x1, s25  }
0x22d: {  	p0 =	sne.s32 s25, $0x3E  }
.Ltmp4:
0x22e: {  	_ = 	snop;
	(pc) =	sbr.rel @p0 .LBB2_2-.Ltmp4, $1  }
0x22f: {  	_ =	sdelay $0x3  }
0x230: {  	_ =	swait.ge [sflag:s20], $0x2800  }
0x231: {  	[sflag:s20] =	ssyncset.done $0x0  }
0x232: {  	[sflag:s20] =	ssyncadd.s32 $0xFFFFD800  }
0x233: {  	_ =	swait.ge [sflag:s20], $0x2800  }
0x234: {  	[sflag:s20] =	ssyncset.done $0x0  }
0x235: {  	[sflag:s20] =	ssyncadd.s32 $0xFFFFD800  }
0x236: {  	_ =	swait.ge [sflag:s20], $0x2800  }
0x237: {  	s25 =	simm.s32 $0x0;
	s26 =	simm.s32 $0x5100;
	[sflag:s20] =	ssyncset.done $0x0  }
0x238: {  	s3 =	simm.s32 $0xA100;
	s28 =	simm.s32 $0x100;
	[sflag:s20] =	ssyncadd.s32 $0xFFFFD800  }
.LBB2_12:
0x239: {  	v1 =	vld [tilespmem:s3+$0xE0]  }
0x23a: {  	v2 =	vld [tilespmem:s3+$0xD0]  }
0x23b: {  	v3 =	vld [tilespmem:s3+$0xC0]  }
0x23c: {  	v4 =	vld [tilespmem:s3+$0xB0]  }
0x23d: {  	v5 =	vld [tilespmem:s3+$0xA0]  }
0x23e: {  	v6 =	vld [tilespmem:s3+$0x80]  }
0x23f: {  	v7 =	vld [tilespmem:s28+$0xA0]  }
0x240: {  	v8 =	vld [tilespmem:s28+$0x80]  }
0x241: {  	v9 =	vld [tilespmem:s26+$0x80]  }
0x242: {  	v10 =	vld [tilespmem:s28+$0x90];
	s1 =	sshll.u32 s25, $0x4;
	s9 =	simm.s32 $0x4;
	s7 =	smov.u32 s26  }
0x243: {  	v11 =	vld [tilespmem:s26+$0x90];
	s12 =	smov.u32 s3;
	s8 =	smov.u32 s28;
	s23 =	simm.s32 $0x0  }
.LBB2_13:
0x244: {  	p0 =	slt.u32 s9, $0xC;
	v12 =	vld [tilespmem:s7+$0xA0]  }
0x245: {  	v13 =	vld [tilespmem:s12+$0x90]  }
0x246: {  	v14 =	vld [tilespmem:s8+$0xB0]  }
0x247: {  	v15 =	vld [tilespmem:s7+$0xB0]  }
0x248: {  	v8 =	vmul.f32 v9, v8;
	v9 =	vmul.f32 v11, v10;
	v10 =	vld [tilespmem:s8+$0xC0]  }
0x249: {  	v7 =	vmul.f32 v12, v7;
	v11 =	vld [tilespmem:s7+$0xC0]  }
0x24a: {  	v6 =	vmul.f32 v6, v8;
	v8 =	vmul.f32 v13, v9;
	v9 =	vld [tilespmem:s8+$0xD0]  }
0x24b: {  	v12 =	vld [tilespmem:s7+$0xD0]  }
0x24c: {  	v5 =	vmul.f32 v5, v7;
	v6 =	vadd.f32 v8, v6;
	v7 =	vmul.f32 v15, v14;
	v8 =	vld [tilespmem:s8+$0xE0]  }
0x24d: {  	v13 =	vld [tilespmem:s7+$0xE0]  }
0x24e: {  	v5 =	vadd.f32 v5, v6;
	v4 =	vmul.f32 v4, v7;
	v6 =	vmul.f32 v11, v10;
	v7 =	vld [tilespmem:s8+$0xF0]  }
0x24f: {  	v10 =	vld [tilespmem:s7+$0xF0]  }
0x250: {  	v11 =	vld [tilespmem:s7+$0xFFFFFF00];
	v4 =	vadd.f32 v4, v5;
	v3 =	vmul.f32 v3, v6;
	v5 =	vmul.f32 v12, v9  }
0x251: {  	v6 =	vld [tilespmem:s12+$0xF0]  }
0x252: {  	v9 =	vld [tilespmem:s8+$0xFFFFFF10];
	v3 =	vadd.f32 v3, v4;
	v2 =	vmul.f32 v2, v5;
	v4 =	vmul.f32 v13, v8  }
0x253: {  	v5 =	vld [tilespmem:s7+$0xFFFFFF10]  }
0x254: {  	s10 =	sadd.s32 $0x3, s23;
	v8 =	vld [tilespmem:s8+$0xFFFFFF80];
	v2 =	vadd.f32 v2, v3;
	v1 =	vmul.f32 v1, v4;
	v3 =	vmul.f32 v10, v7  }
0x255: {  	v7 =	vor.u32 s10, v0;
	v4 =	vld [tilespmem:s7+$0xFFFFFF80]  }
0x256: {  	v10 =	vld [tilespmem:s8+$0xFFFFFF90];
	v1 =	vadd.f32 v1, v2;
	v2 =	vmul.f32 v6, v3  }
0x257: {  	v3 =	vld [tilespmem:s7+$0xFFFFFF90]  }
0x258: {  	v5 =	vmul.f32 v5, v9;
	v6 =	vld [tilespmem:s8+$0x0];
	v1 =	vadd.f32 v2, v1  }
0x259: {  	v2 =	vld [tilespmem:s7+$0x0]  }
0x25a: {  	v4 =	vmul.f32 v4, v8;
	v8 =	vld [tilespmem:s8+$0x10];
	[tilespmem:v7+s21+$0x0] =	vst.idx.msk $0xffff, v1  }
0x25b: {  	v1 =	vld [tilespmem:s7+$0x10]  }
0x25c: {  	v7 =	vld [tilespmem:s8+$0xFFFFFF00];
	v3 =	vmul.f32 v3, v10  }
0x25d: {  	v9 =	vld [tilespmem:s12+$0xFFFFFF00]  }
0x25e: {  	v10 =	vld [tilespmem:s12+$0xFFFFFF10];
	v2 =	vmul.f32 v2, v6  }
0x25f: {  	v6 =	vld [tilespmem:s8+$0xFFFFFF20]  }
0x260: {  	v12 =	vld [tilespmem:s7+$0xFFFFFF20];
	v1 =	vmul.f32 v1, v8  }
0x261: {  	v7 =	vmul.f32 v11, v7;
	v8 =	vld [tilespmem:s12+$0xFFFFFF80]  }
0x262: {  	v11 =	vld [tilespmem:s12+$0xFFFFFF90]  }
0x263: {  	v7 =	vmul.f32 v9, v7;
	v5 =	vmul.f32 v10, v5;
	v9 =	vld [tilespmem:s8+$0xFFFFFFA0]  }
0x264: {  	v10 =	vld [tilespmem:s7+$0xFFFFFFA0]  }
0x265: {  	v5 =	vadd.f32 v5, v7;
	v6 =	vmul.f32 v12, v6;
	v7 =	vld [tilespmem:s12+$0x0]  }
0x266: {  	v4 =	vmul.f32 v8, v4;
	v8 =	vld [tilespmem:s12+$0x10]  }
0x267: {  	v3 =	vmul.f32 v11, v3;
	v11 =	vld [tilespmem:s8+$0x20]  }
0x268: {  	v12 =	vld [tilespmem:s7+$0x20]  }
0x269: {  	v13 =	vld [tilespmem:s12+$0xFFFFFF20];
	v3 =	vadd.f32 v3, v4;
	v4 =	vmul.f32 v10, v9  }
0x26a: {  	v9 =	vld [tilespmem:s8+$0xFFFFFF30];
	v2 =	vmul.f32 v7, v2  }
0x26b: {  	v7 =	vld [tilespmem:s7+$0xFFFFFF30];
	v1 =	vmul.f32 v8, v1  }
0x26c: {  	v8 =	vld [tilespmem:s12+$0xFFFFFFA0]  }
0x26d: {  	v10 =	vld [tilespmem:s8+$0xFFFFFFB0];
	v1 =	vadd.f32 v1, v2;
	v2 =	vmul.f32 v12, v11  }
0x26e: {  	v6 =	vmul.f32 v13, v6;
	v11 =	vld [tilespmem:s7+$0xFFFFFFB0]  }
0x26f: {  	v12 =	vld [tilespmem:s12+$0x20]  }
0x270: {  	v5 =	vadd.f32 v6, v5;
	v6 =	vmul.f32 v7, v9;
	v7 =	vld [tilespmem:s8+$0x30]  }
0x271: {  	v4 =	vmul.f32 v8, v4;
	v8 =	vld [tilespmem:s7+$0x30]  }
0x272: {  	v9 =	vld [tilespmem:s12+$0xFFFFFF30]  }
0x273: {  	v13 =	vld [tilespmem:s8+$0xFFFFFF40];
	v3 =	vadd.f32 v4, v3;
	v4 =	vmul.f32 v11, v10  }
0x274: {  	v10 =	vld [tilespmem:s7+$0xFFFFFF40];
	v2 =	vmul.f32 v12, v2  }
0x275: {  	v11 =	vld [tilespmem:s12+$0xFFFFFFB0]  }
0x276: {  	v12 =	vld [tilespmem:s8+$0xFFFFFFC0];
	v1 =	vadd.f32 v2, v1;
	v2 =	vmul.f32 v8, v7  }
0x277: {  	v6 =	vmul.f32 v9, v6;
	v7 =	vld [tilespmem:s7+$0xFFFFFFC0]  }
0x278: {  	v8 =	vld [tilespmem:s12+$0x30]  }
0x279: {  	v5 =	vadd.f32 v6, v5;
	v6 =	vmul.f32 v10, v13;
	v9 =	vld [tilespmem:s8+$0x40]  }
0x27a: {  	v4 =	vmul.f32 v11, v4;
	v10 =	vld [tilespmem:s7+$0x40]  }
0x27b: {  	v11 =	vld [tilespmem:s12+$0xFFFFFF40]  }
0x27c: {  	v13 =	vld [tilespmem:s8+$0xFFFFFF50];
	v3 =	vadd.f32 v4, v3;
	v4 =	vmul.f32 v7, v12  }
0x27d: {  	v7 =	vld [tilespmem:s7+$0xFFFFFF50];
	v2 =	vmul.f32 v8, v2  }
0x27e: {  	v8 =	vld [tilespmem:s12+$0xFFFFFFC0]  }
0x27f: {  	v12 =	vld [tilespmem:s8+$0xFFFFFFD0];
	v1 =	vadd.f32 v2, v1;
	v2 =	vmul.f32 v10, v9  }
0x280: {  	v6 =	vmul.f32 v11, v6;
	v9 =	vld [tilespmem:s7+$0xFFFFFFD0]  }
0x281: {  	v10 =	vld [tilespmem:s12+$0x40]  }
0x282: {  	v5 =	vadd.f32 v6, v5;
	v6 =	vmul.f32 v7, v13;
	v7 =	vld [tilespmem:s8+$0x50]  }
0x283: {  	v4 =	vmul.f32 v8, v4;
	v8 =	vld [tilespmem:s7+$0x50]  }
0x284: {  	v11 =	vld [tilespmem:s12+$0xFFFFFF50]  }
0x285: {  	v13 =	vld [tilespmem:s8+$0xFFFFFF60];
	v3 =	vadd.f32 v4, v3;
	v4 =	vmul.f32 v9, v12  }
0x286: {  	v9 =	vld [tilespmem:s7+$0xFFFFFF60];
	v2 =	vmul.f32 v10, v2  }
0x287: {  	v10 =	vld [tilespmem:s12+$0xFFFFFFD0]  }
0x288: {  	v12 =	vld [tilespmem:s8+$0xFFFFFFE0];
	v1 =	vadd.f32 v2, v1;
	v2 =	vmul.f32 v8, v7  }
0x289: {  	v6 =	vmul.f32 v11, v6;
	v7 =	vld [tilespmem:s7+$0xFFFFFFE0]  }
0x28a: {  	v8 =	vld [tilespmem:s12+$0x50]  }
0x28b: {  	v5 =	vadd.f32 v6, v5;
	v6 =	vmul.f32 v9, v13;
	v9 =	vld [tilespmem:s8+$0x60]  }
0x28c: {  	v4 =	vmul.f32 v10, v4;
	v10 =	vld [tilespmem:s7+$0x60]  }
0x28d: {  	v11 =	vld [tilespmem:s12+$0xFFFFFF60]  }
0x28e: {  	v13 =	vld [tilespmem:s8+$0xFFFFFF70];
	v3 =	vadd.f32 v4, v3;
	v4 =	vmul.f32 v7, v12  }
0x28f: {  	v7 =	vld [tilespmem:s7+$0xFFFFFF70];
	v2 =	vmul.f32 v8, v2  }
0x290: {  	v8 =	vld [tilespmem:s12+$0xFFFFFFE0]  }
0x291: {  	v12 =	vld [tilespmem:s8+$0xFFFFFFF0];
	v14 =	vadd.f32 v2, v1;
	v1 =	vmul.f32 v10, v9  }
0x292: {  	v2 =	vmul.f32 v11, v6;
	v6 =	vld [tilespmem:s7+$0xFFFFFFF0]  }
0x293: {  	v9 =	vld [tilespmem:s12+$0x60]  }
0x294: {  	v10 =	vadd.f32 v2, v5;
	v5 =	vmul.f32 v7, v13;
	v7 =	vld [tilespmem:s8+$0x70]  }
0x295: {  	v2 =	vmul.f32 v8, v4;
	v4 =	vld [tilespmem:s7+$0x70]  }
0x296: {  	v8 =	vld [tilespmem:s12+$0xFFFFFF70]  }
0x297: {  	v11 =	vadd.f32 v2, v3;
	v6 =	vmul.f32 v6, v12;
	v12 =	vld [tilespmem:s12+$0xFFFFFFF0]  }
0x298: {  	v3 =	vmul.f32 v9, v1;
	v9 =	vld [tilespmem:s12+$0x70];
	s12 =	sadd.s32 $0x200, s12  }
0x299: {  	v1 =	vld [tilespmem:s12+$0xE0]  }
0x29a: {  	s10 =	sadd.s32 $0x1, s23;
	v13 =	vor.u32 s23, v0;
	v2 =	vld [tilespmem:s12+$0xD0];
	v14 =	vadd.f32 v3, v14;
	v7 =	vmul.f32 v4, v7  }
0x29b: {  	v15 =	vor.u32 s10, v0;
	s10 =	sadd.s32 $0x2, s23;
	s23 =	smov.u32 s9;
	v3 =	vld [tilespmem:s12+$0xC0];
	v8 =	vmul.f32 v8, v5  }
0x29c: {  	v16 =	vor.u32 s10, v0;
	v4 =	vld [tilespmem:s12+$0xB0];
	v12 =	vmul.f32 v12, v6  }
0x29d: {  	v5 =	vld [tilespmem:s12+$0xA0];
	v8 =	vadd.f32 v8, v10;
	v9 =	vmul.f32 v9, v7  }
0x29e: {  	s8 =	sadd.s32 $0x200, s8;
	v6 =	vld [tilespmem:s12+$0x80];
	v10 =	vadd.f32 v12, v11  }
.Ltmp5:
0x29f: {  	v7 =	vld [tilespmem:s8+$0xA0];
	[tilespmem:v13+s21+$0x0] =	vst.idx.msk $0xffff, v8;
	v11 =	vadd.f32 v9, v14;
	(pc) =	sbr.rel @p0 .LBB2_13-.Ltmp5, $4  }
0x2a0: {  	s7 =	sadd.s32 $0x200, s7;
	v8 =	vld [tilespmem:s8+$0x80];
	[tilespmem:v15+s21+$0x0] =	vst.idx.msk $0xffff, v10  }
0x2a1: {  	v9 =	vld [tilespmem:s7+$0x80];
	[tilespmem:v16+s21+$0x0] =	vst.idx.msk $0xffff, v11  }
0x2a2: {  	v10 =	vld [tilespmem:s8+$0x90]  }
0x2a3: {  	s9 =	sadd.s32 $0x4, s9;
	v11 =	vld [tilespmem:s7+$0x90]  }
0x2a4: {  	v12 =	vld [tilespmem:s7+$0xA0]  }
0x2a5: {  	v13 =	vld [tilespmem:s12+$0x90]  }
0x2a6: {  	v14 =	vld [tilespmem:s8+$0xB0]  }
0x2a7: {  	v15 =	vld [tilespmem:s7+$0xB0]  }
0x2a8: {  	v16 =	vld [tilespmem:s8+$0xC0]  }
0x2a9: {  	v17 =	vld [tilespmem:s7+$0xC0]  }
0x2aa: {  	v18 =	vld [tilespmem:s8+$0xD0]  }
0x2ab: {  	v19 =	vld [tilespmem:s7+$0xD0]  }
0x2ac: {  	v20 =	vld [tilespmem:s8+$0xE0]  }
0x2ad: {  	v21 =	vld [tilespmem:s7+$0xE0]  }
0x2ae: {  	v22 =	vld [tilespmem:s8+$0xF0]  }
0x2af: {  	v23 =	vld [tilespmem:s7+$0xF0]  }
0x2b0: {  	v24 =	vld [tilespmem:s7+$0xFFFFFF00]  }
0x2b1: {  	v25 =	vld [tilespmem:s12+$0xF0]  }
0x2b2: {  	v26 =	vld [tilespmem:s8+$0xFFFFFF10]  }
0x2b3: {  	v27 =	vld [tilespmem:s7+$0xFFFFFF10]  }
0x2b4: {  	v28 =	vld [tilespmem:s8+$0xFFFFFF80]  }
0x2b5: {  	v29 =	vld [tilespmem:s7+$0xFFFFFF80]  }
0x2b6: {  	v30 =	vld [tilespmem:s8+$0xFFFFFF90]  }
0x2b7: {  	v31 =	vld [tilespmem:s7+$0xFFFFFF90]  }
0x2b8: {  	v32 =	vld [tilespmem:s8+$0x0]  }
0x2b9: {  	v33 =	vld [tilespmem:s7+$0x0]  }
0x2ba: {  	v34 =	vld [tilespmem:s8+$0x10]  }
0x2bb: {  	v35 =	vld [tilespmem:s7+$0x10]  }
0x2bc: {  	v36 =	vld [tilespmem:s8+$0xFFFFFF00]  }
0x2bd: {  	v37 =	vld [tilespmem:s12+$0xFFFFFF00]  }
0x2be: {  	v38 =	vld [tilespmem:s12+$0xFFFFFF10]  }
0x2bf: {  	v39 =	vld [tilespmem:s8+$0xFFFFFF20]  }
0x2c0: {  	v40 =	vld [tilespmem:s7+$0xFFFFFF20]  }
0x2c1: {  	v41 =	vld [tilespmem:s12+$0xFFFFFF80]  }
0x2c2: {  	v42 =	vld [tilespmem:s12+$0xFFFFFF90]  }
0x2c3: {  	v43 =	vld [tilespmem:s8+$0xFFFFFFA0]  }
0x2c4: {  	v44 =	vld [tilespmem:s7+$0xFFFFFFA0]  }
0x2c5: {  	v45 =	vld [tilespmem:s12+$0x0]  }
0x2c6: {  	v46 =	vld [tilespmem:s12+$0x10]  }
0x2c7: {  	v47 =	vld [tilespmem:s8+$0x20]  }
0x2c8: {  	v48 =	vld [tilespmem:s7+$0x20]  }
0x2c9: {  	v49 =	vld [tilespmem:s12+$0xFFFFFF20]  }
0x2ca: {  	v50 =	vld [tilespmem:s8+$0xFFFFFF30]  }
0x2cb: {  	v51 =	vld [tilespmem:s7+$0xFFFFFF30]  }
0x2cc: {  	v52 =	vld [tilespmem:s12+$0xFFFFFFA0]  }
0x2cd: {  	v53 =	vld [tilespmem:s8+$0xFFFFFFB0]  }
0x2ce: {  	v54 =	vld [tilespmem:s7+$0xFFFFFFB0]  }
0x2cf: {  	v55 =	vld [tilespmem:s12+$0x20]  }
0x2d0: {  	v61 =	vld [tilespmem:s12+$0xFFFFFFB0]  }
0x2d1: {  	v56 =	vld [tilespmem:s8+$0x30]  }
0x2d2: {  	v57 =	vld [tilespmem:s7+$0x30]  }
0x2d3: {  	v58 =	vld [tilespmem:s12+$0xFFFFFF30]  }
0x2d4: {  	v59 =	vld [tilespmem:s8+$0xFFFFFF40]  }
0x2d5: {  	v60 =	vld [tilespmem:s7+$0xFFFFFF40];
	[tilespmem:$0x1FF20] =	vst v61  }
0x2d6: {  	v61 =	vld [tilespmem:s12+$0x30];
	_ =	sdelay $0x3  }
0x2d7: {  	v62 =	vld [tilespmem:s8+$0xFFFFFFC0]  }
0x2d8: {  	v63 =	vld [tilespmem:s7+$0xFFFFFFC0];
	[tilespmem:$0x1FF30] =	vst v61  }
0x2d9: {  	v61 =	vld [tilespmem:s8+$0x40];
	_ =	sdelay $0x4  }
0x2da: {  	v33 =	vmul.f32 v33, v32;
	[tilespmem:$0x1FF50] =	vst v61  }
0x2db: {  	v21 =	vmul.f32 v21, v20;
	v40 =	vmul.f32 v40, v39;
	v61 =	vld [tilespmem:s7+$0x40]  }
0x2dc: {  	v44 =	vmul.f32 v44, v43;
	v20 =	vmul.f32 v45, v33  }
0x2dd: {  	v45 =	vmul.f32 v48, v47;
	v47 =	vmul.f32 v49, v40  }
0x2de: {  	v48 =	vmul.f32 v51, v50;
	v49 =	vmul.f32 v52, v44  }
0x2df: {  	v50 =	vmul.f32 v54, v53;
	v52 =	vmul.f32 v57, v56;
	v57 =	vld [tilespmem:$0x1FF20]  }
0x2e0: {  	v54 =	vmul.f32 v58, v48;
	v58 =	vmul.f32 v63, v62;
	v62 =	vld [tilespmem:$0x1FF50];
	[tilespmem:$0x1FF40] =	vst v61  }
0x2e1: {  	v8 =	vmul.f32 v9, v8;
	v9 =	vld [tilespmem:s12+$0xFFFFFF40]  }
0x2e2: {  	v10 =	vmul.f32 v11, v10;
	v7 =	vmul.f32 v12, v7;
	v11 =	vld [tilespmem:s8+$0xFFFFFF50]  }
0x2e3: {  	v6 =	vmul.f32 v6, v8;
	v12 =	vld [tilespmem:s7+$0xFFFFFF50]  }
0x2e4: {  	v10 =	vmul.f32 v13, v10;
	v5 =	vmul.f32 v5, v7;
	v7 =	vld [tilespmem:s12+$0xFFFFFFC0]  }
0x2e5: {  	v13 =	vld [tilespmem:s8+$0xFFFFFFD0]  }
0x2e6: {  	v6 =	vadd.f32 v10, v6;
	v61 =	vmul.f32 v15, v14;
	v15 =	vld [tilespmem:s7+$0xFFFFFFD0]  }
0x2e7: {  	v8 =	vmul.f32 v17, v16;
	v16 =	vld [tilespmem:s12+$0x40]  }
0x2e8: {  	v5 =	vadd.f32 v5, v6;
	v6 =	vld [tilespmem:s8+$0x50]  }
0x2e9: {  	v14 =	vld [tilespmem:s7+$0x50]  }
0x2ea: {  	v1 =	vmul.f32 v1, v21;
	v21 =	vld [tilespmem:s8+$0xFFFFFF60]  }
0x2eb: {  	v23 =	vmul.f32 v23, v22;
	v27 =	vmul.f32 v27, v26;
	v22 =	vld [tilespmem:s7+$0xFFFFFF60]  }
0x2ec: {  	v28 =	vmul.f32 v29, v28;
	v29 =	vmul.f32 v24, v36;
	v24 =	vld [tilespmem:s12+$0xFFFFFFD0]  }
0x2ed: {  	v26 =	vld [tilespmem:s7+$0xFFFFFFE0]  }
0x2ee: {  	v17 =	vmul.f32 v37, v29;
	v10 =	vmul.f32 v38, v27;
	v51 =	vld [tilespmem:s7+$0x60]  }
0x2ef: {  	v53 =	vld [tilespmem:s12+$0xFFFFFF60]  }
0x2f0: {  	v31 =	vmul.f32 v31, v30;
	v10 =	vadd.f32 v10, v17;
	v56 =	vld [tilespmem:s8+$0xFFFFFF70]  }
0x2f1: {  	v36 =	vmul.f32 v35, v34;
	v34 =	vld [tilespmem:s8+$0xFFFFFFF0];
	v4 =	vmul.f32 v4, v61  }
0x2f2: {  	v3 =	vmul.f32 v3, v8;
	v10 =	vadd.f32 v47, v10;
	v37 =	vld [tilespmem:s7+$0xFFFFFFF0];
	v61 =	vmul.f32 v19, v18  }
0x2f3: {  	v8 =	vmul.f32 v25, v23;
	v42 =	vmul.f32 v42, v31;
	v19 =	vld [tilespmem:s8+$0xFFFFFFE0];
	v4 =	vadd.f32 v4, v5  }
0x2f4: {  	v10 =	vadd.f32 v54, v10;
	v63 =	vld [tilespmem:s12+$0xFFFFFFE0];
	v2 =	vmul.f32 v2, v61;
	v5 =	vmul.f32 v57, v50  }
0x2f5: {  	v18 =	vld [tilespmem:s12+$0xFFFFFF50];
	v3 =	vadd.f32 v3, v4;
	v4 =	vmul.f32 v55, v45;
	v55 =	vmul.f32 v60, v59  }
0x2f6: {  	v54 =	vor.u32 s23, v0;
	v44 =	vld [tilespmem:s7+$0x70];
	v11 =	vmul.f32 v12, v11;
	v35 =	vmul.f32 v7, v58  }
0x2f7: {  	s31 =	sadd.s32 $0x2, s23;
	v61 =	vld [tilespmem:$0x1FF40];
	v6 =	vmul.f32 v14, v6;
	v12 =	vmul.f32 v37, v34;
	v2 =	vadd.f32 v2, v3  }
0x2f8: {  	v57 =	vor.u32 s31, v0;
	v60 =	vld [tilespmem:$0x1FF30];
	v48 =	vmul.f32 v26, v19;
	v3 =	vmul.f32 v41, v28  }
0x2f9: {  	v28 =	vld [tilespmem:s8+$0x60];
	v9 =	vmul.f32 v9, v55;
	v1 =	vadd.f32 v1, v2;
	v2 =	vmul.f32 v46, v36  }
0x2fa: {  	s30 =	sadd.s32 $0x1, s23;
	v59 =	vld [tilespmem:s7+$0xFFFFFF70];
	v40 =	vmul.f32 v18, v11;
	v41 =	vmul.f32 v22, v21;
	v3 =	vadd.f32 v42, v3  }
0x2fb: {  	v55 =	vor.u32 s30, v0;
	v46 =	vld [tilespmem:s12+$0x50];
	v36 =	vmul.f32 v15, v13;
	v2 =	vadd.f32 v2, v20  }
0x2fc: {  	v9 =	vadd.f32 v9, v10;
	v42 =	vld [tilespmem:s8+$0x70];
	v3 =	vadd.f32 v49, v3;
	v20 =	vmul.f32 v61, v62  }
0x2fd: {  	v47 =	vld [tilespmem:s12+$0xFFFFFF70];
	v43 =	vmul.f32 v24, v36;
	v2 =	vadd.f32 v4, v2;
	v4 =	vmul.f32 v60, v52  }
0x2fe: {  	v39 =	vld [tilespmem:s12+$0x60];
	v45 =	vadd.f32 v40, v9;
	v50 =	vmul.f32 v51, v28;
	v3 =	vadd.f32 v5, v3  }
0x2ff: {  	v49 =	vld [tilespmem:s12+$0xFFFFFFF0];
	v38 =	vmul.f32 v16, v20;
	v52 =	vmul.f32 v59, v56;
	v2 =	vadd.f32 v4, v2  }
0x300: {  	s29 =	sadd.s32 $0x3, s23;
	v51 =	vld [tilespmem:s12+$0x70];
	v6 =	vmul.f32 v46, v6;
	v46 =	vmul.f32 v53, v41;
	v3 =	vadd.f32 v35, v3  }
0x301: {  	v53 =	vor.u32 s29, v0;
	v5 =	vmul.f32 v44, v42;
	v2 =	vadd.f32 v38, v2  }
0x302: {  	v4 =	vmul.f32 v63, v48;
	v10 =	vmul.f32 v47, v52;
	v3 =	vadd.f32 v43, v3  }
0x303: {  	v7 =	vadd.f32 v46, v45;
	v2 =	vadd.f32 v6, v2;
	v6 =	vmul.f32 v39, v50  }
0x304: {  	v1 =	vadd.f32 v8, v1;
	v56 =	vmul.f32 v49, v12;
	v3 =	vadd.f32 v4, v3  }
0x305: {  	v5 =	vmul.f32 v51, v5;
	v58 =	vadd.f32 v10, v7;
	v2 =	vadd.f32 v6, v2  }
0x306: {  	[tilespmem:v53+s21+$0x0] =	vst.idx.msk $0xffff, v1;
	v1 =	vadd.f32 v56, v3  }
0x307: {  	[tilespmem:v54+s21+$0x0] =	vst.idx.msk $0xffff, v58;
	v2 =	vadd.f32 v5, v2  }
0x308: {  	[tilespmem:v55+s21+$0x0] =	vst.idx.msk $0xffff, v1  }
0x309: {  	[tilespmem:v57+s21+$0x0] =	vst.idx.msk $0xffff, v2  }
0x30a: {  	v1 =	vld [tilespmem:$0x13F00]  }
0x30b: {  	v2 =	vld [tilespmem:$0x13F10];
	_ =	sdelay $0x1  }
0x30c: {  	v3 =	vld [tilespmem:$0x13F20];
	_ =	sdelay $0x1  }
0x30d: {  	v59 =	vld [tilespmem:$0x13F30]  }
0x30e: {  	v1 =	vadd.f32 v2, v1  }
0x30f: {  	v2 =	vld [tilespmem:$0x13F40]  }
0x310: {  	v1 =	vadd.f32 v3, v1  }
0x311: {  	v3 =	vld [tilespmem:$0x13F50]  }
0x312: {  	v1 =	vadd.f32 v59, v1  }
0x313: {  	v60 =	vld [tilespmem:$0x13F60]  }
0x314: {  	v1 =	vadd.f32 v2, v1  }
0x315: {  	v2 =	vld [tilespmem:$0x13F70]  }
0x316: {  	v1 =	vadd.f32 v3, v1  }
0x317: {  	v3 =	vld [tilespmem:$0x13F80]  }
0x318: {  	v1 =	vadd.f32 v60, v1  }
0x319: {  	v61 =	vld [tilespmem:$0x13F90]  }
0x31a: {  	v1 =	vadd.f32 v2, v1  }
0x31b: {  	v2 =	vld [tilespmem:$0x13FA0]  }
0x31c: {  	v1 =	vadd.f32 v3, v1  }
0x31d: {  	v3 =	vld [tilespmem:$0x13FB0]  }
0x31e: {  	v1 =	vadd.f32 v61, v1  }
0x31f: {  	v62 =	vld [tilespmem:$0x13FC0]  }
0x320: {  	v1 =	vadd.f32 v2, v1  }
0x321: {  	v2 =	vld [tilespmem:$0x13FD0]  }
0x322: {  	v1 =	vadd.f32 v3, v1  }
0x323: {  	v3 =	vld [tilespmem:$0x13FE0]  }
0x324: {  	v1 =	vadd.f32 v62, v1  }
0x325: {  	v63 =	vld [tilespmem:$0x13FF0]  }
0x326: {  	s25 =	sadd.s32 $0x1, s25;
	v1 =	vadd.f32 v2, v1  }
0x327: {  	p0 =	sne.s32 s25, $0x5  }
.Ltmp6:
0x328: {  	v1 =	vadd.f32 v3, v1;
	(pc) =	sbr.rel @p0 .LBB2_12-.Ltmp6, $3  }
0x329: {  	_ = 	snop  }
0x32a: {  	v1 =	vadd.f32 v63, v1;
	_ =	sdelay $0x1  }
0x32b: {  	s26 =	sadd.s32 $0x800, s26;
	s3 =	sadd.s32 $0x800, s3;
	s28 =	sadd.s32 $0x800, s28;
	[tilespmem:s1+$0x13E40] =	vst v1  }
0x32c: {  	s24 =	sadd.s32 $0x1, s24  }
0x32d: {  	p0 =	sne.s32 s24, s11  }
.Ltmp7:
0x32e: {  	s1 =	rddreg [dreg:$0x9];
	s3 =	simm.s32 $0x11780;
	(pc) =	sbr.rel @p0 .LBB2_1-.Ltmp7, $4  }
0x32f: {  	[hbm4b:s1+s5] =	stream.linear.scatter [tilespmem:s3], [sflag:$0x3], $0x2710, $0x38;
	[tilespmem:$0x14000] =	vst v63  }
0x330: {  	_ =	swait.ge [sflag:s13], $0x2710  }
0x331: {  	[sflag:s13] =	ssyncset.done $0x0  }
0x332: {  	[sflag:s13] =	ssyncadd.s32 $0xFFFFD8F0  }
0x333: {  	_ =	sfence.sel $0x180000  }
0x334: {  	[bflag:$0x0] =	sbarrier.arrive $0xFFFF  }
0x335: {  	_ =	strace $0x90000047  }
0x336: {  	s0 =	stileid.u32;
	[bflag:$0x2] =	sbarrier.arrive $0xFFFF  }
0x337: {  	p0 =	sne.s32 s0, $0x0;
	s0 =	rddreg [dreg:$0x5]  }
0x338: {  	s0 =	sadd.s32 @!p0 $0x100000, s0  }
0x339: {  	[sflag:s0] =	ssyncadd.tile.s32 @!p0 $0x1;
	_ =	shalt  }
.Lfunc_end2:
_tile_overlayer_lowered:
.L_overlay_start_2:
0x33a: {  	(tag) =	ssettag $0x2  }
0x33b: {  	s0 =	rddreg [dreg:$0x0];
	s2 =	stileid.u32  }
0x33c: {  	s1 =	rddreg [dreg:$0x1];
	p0 =	sne.s32 s2, $0x0  }
0x33d: {  	s3 =	rddreg [dreg:$0x2];
	[bflag:$0x3] =	sbarrier.arrive $0xFFFF;
	s2 =	simm.s32 @!p0 $0x1C03  }
0x33e: {  	[timem:s3], [sflag:s2] =	dma.local @!p0 [hbm:s0], s1  }
0x33f: {  	s0 =	simm.s32 @!p0 $0x3  }
0x340: {  	_ =	swait.ge @!p0 [sflag:s0], s1  }
0x341: {  	s1 =	ssub.s32 @!p0 $0x0, s1;
	[sflag:s0] =	ssyncset.done @!p0 $0x0  }
0x342: {  	[sflag:s0] =	ssyncadd.s32 @!p0 s1  }
0x343: {  	[bflag:$0x3] =	sbarrier.arrive $0xFFFF  }
0x344: {  	_ =	shalt  }

</sc_bundles>
